<compile_context>
chip_gen: v7x
topology: tpu7x:2x2x1
jax: 0.10.2.dev20260603
libtpu: 0.0.44.dev20260713+nightly
codegen_flags: <defaults>
</compile_context>

<pallas_src>
import functools

import jax
import jax.numpy as jnp
from jax import lax
from jax.experimental import pallas as pl
from jax.experimental.pallas import tpu as pltpu
from jax.experimental.pallas import tpu_sc as plsc

B = 16384
D = 32
NC = 2
NS = 16
NW = NC * NS
BPW = B // NW
CHUNK = 128
NCHUNK = BPW // CHUNK


def _sc_gather_gmf(user2d, item2d, gmf_u_w, gmf_i_w, mlp_u_w, mlp_i_w):
    mesh = plsc.VectorSubcoreMesh(core_axis_name="c", subcore_axis_name="s")

    @functools.partial(
        pl.kernel,
        mesh=mesh,
        compiler_params=pltpu.CompilerParams(use_tc_tiling_on_sc=False),
        out_type=(
            jax.ShapeDtypeStruct((B, D), jnp.float32),
            jax.ShapeDtypeStruct((B, D), jnp.float32),
            jax.ShapeDtypeStruct((B, D), jnp.float32),
        ),
        scratch_types=[
            pltpu.VMEM((NCHUNK, CHUNK), jnp.int32),
            pltpu.VMEM((NCHUNK, CHUNK), jnp.int32),
            pltpu.VMEM((BPW, D), jnp.float32),
            pltpu.VMEM((BPW, D), jnp.float32),
            pltpu.VMEM((BPW, D), jnp.float32),
            pltpu.VMEM((BPW, D), jnp.float32),
            pltpu.SemaphoreType.DMA,
        ],
    )
    def k(user_ref, item_ref, guw, giw, muw, miw,
          gmf_out, mu_out, mi_out,
          idx_u, idx_i, gu_v, gi_v, mu_v, mi_v, sem):
        wid = lax.axis_index("s") * NC + lax.axis_index("c")
        base = wid * BPW
        row0 = wid * NCHUNK

        pltpu.sync_copy(user_ref.at[pl.ds(row0, NCHUNK)], idx_u)
        pltpu.sync_copy(item_ref.at[pl.ds(row0, NCHUNK)], idx_i)

        copies = []
        for c in range(NCHUNK):
            sl = pl.ds(c * CHUNK, CHUNK)
            copies.append(pltpu.async_copy(guw.at[idx_u.at[c]], gu_v.at[sl], sem))
            copies.append(pltpu.async_copy(giw.at[idx_i.at[c]], gi_v.at[sl], sem))
            copies.append(pltpu.async_copy(muw.at[idx_u.at[c]], mu_v.at[sl], sem))
            copies.append(pltpu.async_copy(miw.at[idx_i.at[c]], mi_v.at[sl], sem))
        for cp in copies:
            cp.wait()

        def body(j, carry):
            for c0 in range(0, D, 16):
                s = pl.ds(c0, 16)
                gu_v[j, s] = gu_v[j, s] * gi_v[j, s]
            return carry

        lax.fori_loop(0, BPW, body, 0, unroll=4)

        osl = pl.ds(base, BPW)
        pltpu.sync_copy(gu_v, gmf_out.at[osl])
        pltpu.sync_copy(mu_v, mu_out.at[osl])
        pltpu.sync_copy(mi_v, mi_out.at[osl])

    return k(user2d, item2d, gmf_u_w, gmf_i_w, mlp_u_w, mlp_i_w)


def _tc_mlp_body(gmf, mu, mi, w1t, w2t, b1, b2, wo, bo, out):
    h1 = jnp.dot(mu[...], w1t[...][:D], preferred_element_type=jnp.float32)
    h1 = h1 + jnp.dot(mi[...], w1t[...][D:], preferred_element_type=jnp.float32)
    h1 = jnp.maximum(h1 + b1[...], 0.0)
    h2 = jnp.maximum(
        jnp.dot(h1, w2t[...], preferred_element_type=jnp.float32) + b2[...], 0.0)
    o = jnp.dot(gmf[...], wo[...][:D], preferred_element_type=jnp.float32)
    o = o + jnp.dot(h2, wo[...][D:], preferred_element_type=jnp.float32)
    out[...] = o + bo[0, 0]


def _tc_mlp(gmf, mu, mi, w1t, w2t, b1, b2, wo, bo):
    BLK = 2048
    grid = B // BLK
    full = lambda shape: pl.BlockSpec(shape, lambda i: (0, 0))
    return pl.pallas_call(
        _tc_mlp_body,
        grid=(grid,),
        in_specs=[
            pl.BlockSpec((BLK, D), lambda i: (i, 0)),
            pl.BlockSpec((BLK, D), lambda i: (i, 0)),
            pl.BlockSpec((BLK, D), lambda i: (i, 0)),
            full((2 * D, 64)),
            full((64, D)),
            full((1, 64)),
            full((1, D)),
            full((2 * D, 1)),
            full((1, 1)),
        ],
        out_specs=pl.BlockSpec((BLK, 1), lambda i: (i, 0)),
        out_shape=jax.ShapeDtypeStruct((B, 1), jnp.float32),
    )(gmf, mu, mi, w1t, w2t, b1, b2, wo, bo)


def kernel(user, item, gmf_user_w, gmf_item_w, mlp_user_w, mlp_item_w,
           W1, b1, W2, b2, Wo, bo):
    user2d = user.astype(jnp.int32).reshape(NW * NCHUNK, CHUNK)
    item2d = item.astype(jnp.int32).reshape(NW * NCHUNK, CHUNK)

    gmf, mu, mi = _sc_gather_gmf(
        user2d, item2d, gmf_user_w, gmf_item_w, mlp_user_w, mlp_item_w)

    w1t = W1.T
    w2t = W2.T
    wo = Wo.T
    out = _tc_mlp(gmf, mu, mi, w1t, w2t,
                  b1.reshape(1, -1), b2.reshape(1, -1), wo, bo.reshape(1, 1))
    return out[:, 0]

# --- scband reference (transcript-rebuilt; emitter-appended) ---
"""Pipeline reference for scband-neu-mf-52364241273006 (READ-ONLY COPY).

The authoritative reference and input builder live on the scoring server;
editing this copy changes nothing except your own understanding.
"""

import jax, jax.numpy as jnp
import numpy as np

B = 16384
NU = 1000000
NI = 1000000
D = 32
MLP_DIMS = [64, 32]


def setup_inputs(seed: int = 0) -> dict:
    key = jax.random.key(seed)
    ks = jax.random.split(key, 12)
    user = jax.random.randint(ks[0], (B,), 0, NU, dtype=jnp.int64) if jax.config.jax_enable_x64 else jax.random.randint(ks[0], (B,), 0, NU, dtype=jnp.int32)
    item = jax.random.randint(ks[1], (B,), 0, NI, dtype=jnp.int64) if jax.config.jax_enable_x64 else jax.random.randint(ks[1], (B,), 0, NI, dtype=jnp.int32)
    gmf_user_w = jax.random.normal(ks[2], (NU, D), dtype=jnp.float32) * 0.01
    gmf_item_w = jax.random.normal(ks[3], (NI, D), dtype=jnp.float32) * 0.01
    mlp_user_w = jax.random.normal(ks[4], (NU, D), dtype=jnp.float32) * 0.01
    mlp_item_w = jax.random.normal(ks[5], (NI, D), dtype=jnp.float32) * 0.01
    in_dim = 2 * D
    # torch Linear weight shape: (out_dim, in_dim), xavier_uniform init
    def xavier(k, out_d, in_d):
        limit = float(np.sqrt(6.0 / (in_d + out_d)))
        return jax.random.uniform(k, (out_d, in_d), dtype=jnp.float32, minval=-limit, maxval=limit)
    W1 = xavier(ks[6], MLP_DIMS[0], in_dim)
    b1 = jnp.zeros((MLP_DIMS[0],), dtype=jnp.float32)
    W2 = xavier(ks[7], MLP_DIMS[1], MLP_DIMS[0])
    b2 = jnp.zeros((MLP_DIMS[1],), dtype=jnp.float32)
    Wo = xavier(ks[8], 1, D + MLP_DIMS[-1])
    bo = jnp.zeros((1,), dtype=jnp.float32)
    return {
        "user": user,
        "item": item,
        "gmf_user_w": gmf_user_w,
        "gmf_item_w": gmf_item_w,
        "mlp_user_w": mlp_user_w,
        "mlp_item_w": mlp_item_w,
        "W1": W1,
        "b1": b1,
        "W2": W2,
        "b2": b2,
        "Wo": Wo,
        "bo": bo,
    }


def reference(user, item, gmf_user_w, gmf_item_w, mlp_user_w, mlp_item_w, W1, b1, W2, b2, Wo, bo):
    # GMF branch: elementwise product of embeddings
    gmf = jnp.take(gmf_user_w, user, axis=0) * jnp.take(gmf_item_w, item, axis=0)
    # MLP branch: concat embeddings, two Linear+ReLU layers (dropout is identity in eval)
    mlp_in = jnp.concatenate([jnp.take(mlp_user_w, user, axis=0), jnp.take(mlp_item_w, item, axis=0)], axis=-1)
    h = jax.nn.relu(mlp_in @ W1.T + b1)
    h = jax.nn.relu(h @ W2.T + b2)
    out = jnp.concatenate([gmf, h], axis=-1) @ Wo.T + bo
    return out.squeeze(-1)

if __name__ == "__main__":
    import jax
    _d = setup_inputs()
    print(jax.jit(kernel)(*tuple(_d.values())))

</pallas_src>

<mosaic_0001>
#map = affine_map<(d0, d1) -> (0, 0)>
module attributes {stable_mosaic.version = 14 : i64} {
  func.func @k(%arg0: i32, %arg1: i32, %arg2: memref<128x128xi32, #tpu.memory_space<hbm>>, %arg3: memref<128x128xi32, #tpu.memory_space<hbm>>, %arg4: memref<1000000x32xf32, #tpu.memory_space<hbm>>, %arg5: memref<1000000x32xf32, #tpu.memory_space<hbm>>, %arg6: memref<1000000x32xf32, #tpu.memory_space<hbm>>, %arg7: memref<1000000x32xf32, #tpu.memory_space<hbm>>, %arg8: memref<16384x32xf32, #tpu.memory_space<hbm>>, %arg9: memref<16384x32xf32, #tpu.memory_space<hbm>>, %arg10: memref<16384x32xf32, #tpu.memory_space<hbm>>, %arg11: memref<4x128xi32, #tpu.memory_space<vmem>>, %arg12: memref<4x128xi32, #tpu.memory_space<vmem>>, %arg13: memref<512x32xf32, #tpu.memory_space<vmem>>, %arg14: memref<512x32xf32, #tpu.memory_space<vmem>>, %arg15: memref<512x32xf32, #tpu.memory_space<vmem>>, %arg16: memref<512x32xf32, #tpu.memory_space<vmem>>, %arg17: memref<!tpu.dma_semaphore, #tpu.memory_space<semaphore_mem>>) attributes {dimension_semantics = [#tpu.dimension_semantics<core_parallel>, #tpu.dimension_semantics<subcore_parallel>], iteration_bounds = array<i64: 2, 16>, scalar_prefetch = 0 : i64, scratch_operands = 7 : i64, tpu.core_type = #tpu.core_type<sc_vector_subcore>, window_params = [{transform_indices = #map}, {transform_indices = #map}, {transform_indices = #map}, {transform_indices = #map}, {transform_indices = #map}, {transform_indices = #map}, {transform_indices = #map}, {transform_indices = #map}, {transform_indices = #map}]} {
    %mul3A = arith.constant 2 : i32
    %mul3A_0 = arith.muli %arg1, %mul3A : i32
    %add3A = arith.addi %mul3A_0, %arg0 : i32
    %mul3A_1 = arith.constant 512 : i32
    %mul3A_2 = arith.muli %add3A, %mul3A_1 : i32
    %mul3A_3 = arith.constant 4 : i32
    %mul3A_4 = arith.muli %add3A, %mul3A_3 : i32
    "tpu.region"() ({
      %run_scoped3A = tpu.sem_alloc : memref<!tpu.dma_semaphore, #tpu.memory_space<semaphore_mem>>
      %dma_start3A_328 = arith.constant 0 : i32
      %dma_start3A_329 = tpu.memref_slice %arg2[%mul3A_4, %dma_start3A_328] : memref<128x128xi32, #tpu.memory_space<hbm>> -> memref<4x128xi32, #tpu.memory_space<hbm>>
      %dma_start3A_330 = arith.constant 0 : i32
      %dma_start3A_331 = tpu.memref_slice %arg2[%mul3A_4, %dma_start3A_330] : memref<128x128xi32, #tpu.memory_space<hbm>> -> memref<4x128xi32, #tpu.memory_space<hbm>>
      tpu.enqueue_dma source(%dma_start3A_331 : memref<4x128xi32, #tpu.memory_space<hbm>>) target(%arg11 : memref<4x128xi32, #tpu.memory_space<vmem>>) target_semaphore(%run_scoped3A : memref<!tpu.dma_semaphore, #tpu.memory_space<semaphore_mem>>)
      %dma_wait3A_332 = arith.constant 0 : i32
      %dma_wait3A_333 = tpu.memref_slice %arg2[%mul3A_4, %dma_wait3A_332] : memref<128x128xi32, #tpu.memory_space<hbm>> -> memref<4x128xi32, #tpu.memory_space<hbm>>
      %dma_wait3A_334 = arith.constant 0 : i32
      %dma_wait3A_335 = tpu.memref_slice %arg2[%mul3A_4, %dma_wait3A_334] : memref<128x128xi32, #tpu.memory_space<hbm>> -> memref<4x128xi32, #tpu.memory_space<hbm>>
      tpu.wait_dma2 semaphore(%run_scoped3A : memref<!tpu.dma_semaphore, #tpu.memory_space<semaphore_mem>>) src(%dma_wait3A_335 : memref<4x128xi32, #tpu.memory_space<hbm>>) dst(%arg11 : memref<4x128xi32, #tpu.memory_space<vmem>>)
      tpu.yield
    }) : () -> ()
    "tpu.region"() ({
      %run_scoped3A = tpu.sem_alloc : memref<!tpu.dma_semaphore, #tpu.memory_space<semaphore_mem>>
      %dma_start3A_328 = arith.constant 0 : i32
      %dma_start3A_329 = tpu.memref_slice %arg3[%mul3A_4, %dma_start3A_328] : memref<128x128xi32, #tpu.memory_space<hbm>> -> memref<4x128xi32, #tpu.memory_space<hbm>>
      %dma_start3A_330 = arith.constant 0 : i32
      %dma_start3A_331 = tpu.memref_slice %arg3[%mul3A_4, %dma_start3A_330] : memref<128x128xi32, #tpu.memory_space<hbm>> -> memref<4x128xi32, #tpu.memory_space<hbm>>
      tpu.enqueue_dma source(%dma_start3A_331 : memref<4x128xi32, #tpu.memory_space<hbm>>) target(%arg12 : memref<4x128xi32, #tpu.memory_space<vmem>>) target_semaphore(%run_scoped3A : memref<!tpu.dma_semaphore, #tpu.memory_space<semaphore_mem>>)
      %dma_wait3A_332 = arith.constant 0 : i32
      %dma_wait3A_333 = tpu.memref_slice %arg3[%mul3A_4, %dma_wait3A_332] : memref<128x128xi32, #tpu.memory_space<hbm>> -> memref<4x128xi32, #tpu.memory_space<hbm>>
      %dma_wait3A_334 = arith.constant 0 : i32
      %dma_wait3A_335 = tpu.memref_slice %arg3[%mul3A_4, %dma_wait3A_334] : memref<128x128xi32, #tpu.memory_space<hbm>> -> memref<4x128xi32, #tpu.memory_space<hbm>>
      tpu.wait_dma2 semaphore(%run_scoped3A : memref<!tpu.dma_semaphore, #tpu.memory_space<semaphore_mem>>) src(%dma_wait3A_335 : memref<4x128xi32, #tpu.memory_space<hbm>>) dst(%arg12 : memref<4x128xi32, #tpu.memory_space<vmem>>)
      tpu.yield
    }) : () -> ()
    %dma_start3A = arith.constant 0 : i32
    %dma_start3A_5 = arith.constant 0 : i32
    %dma_start3A_6 = arith.constant 0 : i32
    %dma_start3A_7 = tpu.memref_slice %arg13[%dma_start3A_5, %dma_start3A_6] : memref<512x32xf32, #tpu.memory_space<vmem>> -> memref<128x32xf32, #tpu.memory_space<vmem>>
    %dma_start3A_8 = arith.constant 0 : i32
    %dma_start3A_9 = tpu.memref_slice %arg11[%dma_start3A, %dma_start3A_8] : memref<4x128xi32, #tpu.memory_space<vmem>> -> memref<1x128xi32, #tpu.memory_space<vmem>>
    %dma_start3A_10 = tpu.memref_squeeze %dma_start3A_9 : memref<1x128xi32, #tpu.memory_space<vmem>> -> memref<128xi32, #tpu.memory_space<vmem>>
    %dma_start3A_11 = arith.constant 0 : i32
    %dma_start3A_12 = arith.constant 0 : i32
    %dma_start3A_13 = tpu.memref_slice %arg4[%dma_start3A_11, %dma_start3A_12] : memref<1000000x32xf32, #tpu.memory_space<hbm>> -> memref<1000000x32xf32, #tpu.memory_space<hbm>>
    tpu.enqueue_indirect_dma source(%dma_start3A_13 : memref<1000000x32xf32, #tpu.memory_space<hbm>>) target(%dma_start3A_7 : memref<128x32xf32, #tpu.memory_space<vmem>>) offsets(%dma_start3A_10 : memref<128xi32, #tpu.memory_space<vmem>>) semaphore(%arg17 : memref<!tpu.dma_semaphore, #tpu.memory_space<semaphore_mem>>)
    %dma_start3A_14 = arith.constant 0 : i32
    %dma_start3A_15 = arith.constant 0 : i32
    %dma_start3A_16 = arith.constant 0 : i32
    %dma_start3A_17 = tpu.memref_slice %arg14[%dma_start3A_15, %dma_start3A_16] : memref<512x32xf32, #tpu.memory_space<vmem>> -> memref<128x32xf32, #tpu.memory_space<vmem>>
    %dma_start3A_18 = arith.constant 0 : i32
    %dma_start3A_19 = tpu.memref_slice %arg12[%dma_start3A_14, %dma_start3A_18] : memref<4x128xi32, #tpu.memory_space<vmem>> -> memref<1x128xi32, #tpu.memory_space<vmem>>
    %dma_start3A_20 = tpu.memref_squeeze %dma_start3A_19 : memref<1x128xi32, #tpu.memory_space<vmem>> -> memref<128xi32, #tpu.memory_space<vmem>>
    %dma_start3A_21 = arith.constant 0 : i32
    %dma_start3A_22 = arith.constant 0 : i32
    %dma_start3A_23 = tpu.memref_slice %arg5[%dma_start3A_21, %dma_start3A_22] : memref<1000000x32xf32, #tpu.memory_space<hbm>> -> memref<1000000x32xf32, #tpu.memory_space<hbm>>
    tpu.enqueue_indirect_dma source(%dma_start3A_23 : memref<1000000x32xf32, #tpu.memory_space<hbm>>) target(%dma_start3A_17 : memref<128x32xf32, #tpu.memory_space<vmem>>) offsets(%dma_start3A_20 : memref<128xi32, #tpu.memory_space<vmem>>) semaphore(%arg17 : memref<!tpu.dma_semaphore, #tpu.memory_space<semaphore_mem>>)
    %dma_start3A_24 = arith.constant 0 : i32
    %dma_start3A_25 = arith.constant 0 : i32
    %dma_start3A_26 = arith.constant 0 : i32
    %dma_start3A_27 = tpu.memref_slice %arg15[%dma_start3A_25, %dma_start3A_26] : memref<512x32xf32, #tpu.memory_space<vmem>> -> memref<128x32xf32, #tpu.memory_space<vmem>>
    %dma_start3A_28 = arith.constant 0 : i32
    %dma_start3A_29 = tpu.memref_slice %arg11[%dma_start3A_24, %dma_start3A_28] : memref<4x128xi32, #tpu.memory_space<vmem>> -> memref<1x128xi32, #tpu.memory_space<vmem>>
    %dma_start3A_30 = tpu.memref_squeeze %dma_start3A_29 : memref<1x128xi32, #tpu.memory_space<vmem>> -> memref<128xi32, #tpu.memory_space<vmem>>
    %dma_start3A_31 = arith.constant 0 : i32
    %dma_start3A_32 = arith.constant 0 : i32
    %dma_start3A_33 = tpu.memref_slice %arg6[%dma_start3A_31, %dma_start3A_32] : memref<1000000x32xf32, #tpu.memory_space<hbm>> -> memref<1000000x32xf32, #tpu.memory_space<hbm>>
    tpu.enqueue_indirect_dma source(%dma_start3A_33 : memref<1000000x32xf32, #tpu.memory_space<hbm>>) target(%dma_start3A_27 : memref<128x32xf32, #tpu.memory_space<vmem>>) offsets(%dma_start3A_30 : memref<128xi32, #tpu.memory_space<vmem>>) semaphore(%arg17 : memref<!tpu.dma_semaphore, #tpu.memory_space<semaphore_mem>>)
    %dma_start3A_34 = arith.constant 0 : i32
    %dma_start3A_35 = arith.constant 0 : i32
    %dma_start3A_36 = arith.constant 0 : i32
    %dma_start3A_37 = tpu.memref_slice %arg16[%dma_start3A_35, %dma_start3A_36] : memref<512x32xf32, #tpu.memory_space<vmem>> -> memref<128x32xf32, #tpu.memory_space<vmem>>
    %dma_start3A_38 = arith.constant 0 : i32
    %dma_start3A_39 = tpu.memref_slice %arg12[%dma_start3A_34, %dma_start3A_38] : memref<4x128xi32, #tpu.memory_space<vmem>> -> memref<1x128xi32, #tpu.memory_space<vmem>>
    %dma_start3A_40 = tpu.memref_squeeze %dma_start3A_39 : memref<1x128xi32, #tpu.memory_space<vmem>> -> memref<128xi32, #tpu.memory_space<vmem>>
    %dma_start3A_41 = arith.constant 0 : i32
    %dma_start3A_42 = arith.constant 0 : i32
    %dma_start3A_43 = tpu.memref_slice %arg7[%dma_start3A_41, %dma_start3A_42] : memref<1000000x32xf32, #tpu.memory_space<hbm>> -> memref<1000000x32xf32, #tpu.memory_space<hbm>>
    tpu.enqueue_indirect_dma source(%dma_start3A_43 : memref<1000000x32xf32, #tpu.memory_space<hbm>>) target(%dma_start3A_37 : memref<128x32xf32, #tpu.memory_space<vmem>>) offsets(%dma_start3A_40 : memref<128xi32, #tpu.memory_space<vmem>>) semaphore(%arg17 : memref<!tpu.dma_semaphore, #tpu.memory_space<semaphore_mem>>)
    %dma_start3A_44 = arith.constant 1 : i32
    %dma_start3A_45 = arith.constant 128 : i32
    %dma_start3A_46 = arith.constant 0 : i32
    %dma_start3A_47 = tpu.memref_slice %arg13[%dma_start3A_45, %dma_start3A_46] : memref<512x32xf32, #tpu.memory_space<vmem>> -> memref<128x32xf32, #tpu.memory_space<vmem>>
    %dma_start3A_48 = arith.constant 0 : i32
    %dma_start3A_49 = tpu.memref_slice %arg11[%dma_start3A_44, %dma_start3A_48] : memref<4x128xi32, #tpu.memory_space<vmem>> -> memref<1x128xi32, #tpu.memory_space<vmem>>
    %dma_start3A_50 = tpu.memref_squeeze %dma_start3A_49 : memref<1x128xi32, #tpu.memory_space<vmem>> -> memref<128xi32, #tpu.memory_space<vmem>>
    %dma_start3A_51 = arith.constant 0 : i32
    %dma_start3A_52 = arith.constant 0 : i32
    %dma_start3A_53 = tpu.memref_slice %arg4[%dma_start3A_51, %dma_start3A_52] : memref<1000000x32xf32, #tpu.memory_space<hbm>> -> memref<1000000x32xf32, #tpu.memory_space<hbm>>
    tpu.enqueue_indirect_dma source(%dma_start3A_53 : memref<1000000x32xf32, #tpu.memory_space<hbm>>) target(%dma_start3A_47 : memref<128x32xf32, #tpu.memory_space<vmem>>) offsets(%dma_start3A_50 : memref<128xi32, #tpu.memory_space<vmem>>) semaphore(%arg17 : memref<!tpu.dma_semaphore, #tpu.memory_space<semaphore_mem>>)
    %dma_start3A_54 = arith.constant 1 : i32
    %dma_start3A_55 = arith.constant 128 : i32
    %dma_start3A_56 = arith.constant 0 : i32
    %dma_start3A_57 = tpu.memref_slice %arg14[%dma_start3A_55, %dma_start3A_56] : memref<512x32xf32, #tpu.memory_space<vmem>> -> memref<128x32xf32, #tpu.memory_space<vmem>>
    %dma_start3A_58 = arith.constant 0 : i32
    %dma_start3A_59 = tpu.memref_slice %arg12[%dma_start3A_54, %dma_start3A_58] : memref<4x128xi32, #tpu.memory_space<vmem>> -> memref<1x128xi32, #tpu.memory_space<vmem>>
    %dma_start3A_60 = tpu.memref_squeeze %dma_start3A_59 : memref<1x128xi32, #tpu.memory_space<vmem>> -> memref<128xi32, #tpu.memory_space<vmem>>
    %dma_start3A_61 = arith.constant 0 : i32
    %dma_start3A_62 = arith.constant 0 : i32
    %dma_start3A_63 = tpu.memref_slice %arg5[%dma_start3A_61, %dma_start3A_62] : memref<1000000x32xf32, #tpu.memory_space<hbm>> -> memref<1000000x32xf32, #tpu.memory_space<hbm>>
    tpu.enqueue_indirect_dma source(%dma_start3A_63 : memref<1000000x32xf32, #tpu.memory_space<hbm>>) target(%dma_start3A_57 : memref<128x32xf32, #tpu.memory_space<vmem>>) offsets(%dma_start3A_60 : memref<128xi32, #tpu.memory_space<vmem>>) semaphore(%arg17 : memref<!tpu.dma_semaphore, #tpu.memory_space<semaphore_mem>>)
    %dma_start3A_64 = arith.constant 1 : i32
    %dma_start3A_65 = arith.constant 128 : i32
    %dma_start3A_66 = arith.constant 0 : i32
    %dma_start3A_67 = tpu.memref_slice %arg15[%dma_start3A_65, %dma_start3A_66] : memref<512x32xf32, #tpu.memory_space<vmem>> -> memref<128x32xf32, #tpu.memory_space<vmem>>
    %dma_start3A_68 = arith.constant 0 : i32
    %dma_start3A_69 = tpu.memref_slice %arg11[%dma_start3A_64, %dma_start3A_68] : memref<4x128xi32, #tpu.memory_space<vmem>> -> memref<1x128xi32, #tpu.memory_space<vmem>>
    %dma_start3A_70 = tpu.memref_squeeze %dma_start3A_69 : memref<1x128xi32, #tpu.memory_space<vmem>> -> memref<128xi32, #tpu.memory_space<vmem>>
    %dma_start3A_71 = arith.constant 0 : i32
    %dma_start3A_72 = arith.constant 0 : i32
    %dma_start3A_73 = tpu.memref_slice %arg6[%dma_start3A_71, %dma_start3A_72] : memref<1000000x32xf32, #tpu.memory_space<hbm>> -> memref<1000000x32xf32, #tpu.memory_space<hbm>>
    tpu.enqueue_indirect_dma source(%dma_start3A_73 : memref<1000000x32xf32, #tpu.memory_space<hbm>>) target(%dma_start3A_67 : memref<128x32xf32, #tpu.memory_space<vmem>>) offsets(%dma_start3A_70 : memref<128xi32, #tpu.memory_space<vmem>>) semaphore(%arg17 : memref<!tpu.dma_semaphore, #tpu.memory_space<semaphore_mem>>)
    %dma_start3A_74 = arith.constant 1 : i32
    %dma_start3A_75 = arith.constant 128 : i32
    %dma_start3A_76 = arith.constant 0 : i32
    %dma_start3A_77 = tpu.memref_slice %arg16[%dma_start3A_75, %dma_start3A_76] : memref<512x32xf32, #tpu.memory_space<vmem>> -> memref<128x32xf32, #tpu.memory_space<vmem>>
    %dma_start3A_78 = arith.constant 0 : i32
    %dma_start3A_79 = tpu.memref_slice %arg12[%dma_start3A_74, %dma_start3A_78] : memref<4x128xi32, #tpu.memory_space<vmem>> -> memref<1x128xi32, #tpu.memory_space<vmem>>
    %dma_start3A_80 = tpu.memref_squeeze %dma_start3A_79 : memref<1x128xi32, #tpu.memory_space<vmem>> -> memref<128xi32, #tpu.memory_space<vmem>>
    %dma_start3A_81 = arith.constant 0 : i32
    %dma_start3A_82 = arith.constant 0 : i32
    %dma_start3A_83 = tpu.memref_slice %arg7[%dma_start3A_81, %dma_start3A_82] : memref<1000000x32xf32, #tpu.memory_space<hbm>> -> memref<1000000x32xf32, #tpu.memory_space<hbm>>
    tpu.enqueue_indirect_dma source(%dma_start3A_83 : memref<1000000x32xf32, #tpu.memory_space<hbm>>) target(%dma_start3A_77 : memref<128x32xf32, #tpu.memory_space<vmem>>) offsets(%dma_start3A_80 : memref<128xi32, #tpu.memory_space<vmem>>) semaphore(%arg17 : memref<!tpu.dma_semaphore, #tpu.memory_space<semaphore_mem>>)
    %dma_start3A_84 = arith.constant 2 : i32
    %dma_start3A_85 = arith.constant 256 : i32
    %dma_start3A_86 = arith.constant 0 : i32
    %dma_start3A_87 = tpu.memref_slice %arg13[%dma_start3A_85, %dma_start3A_86] : memref<512x32xf32, #tpu.memory_space<vmem>> -> memref<128x32xf32, #tpu.memory_space<vmem>>
    %dma_start3A_88 = arith.constant 0 : i32
    %dma_start3A_89 = tpu.memref_slice %arg11[%dma_start3A_84, %dma_start3A_88] : memref<4x128xi32, #tpu.memory_space<vmem>> -> memref<1x128xi32, #tpu.memory_space<vmem>>
    %dma_start3A_90 = tpu.memref_squeeze %dma_start3A_89 : memref<1x128xi32, #tpu.memory_space<vmem>> -> memref<128xi32, #tpu.memory_space<vmem>>
    %dma_start3A_91 = arith.constant 0 : i32
    %dma_start3A_92 = arith.constant 0 : i32
    %dma_start3A_93 = tpu.memref_slice %arg4[%dma_start3A_91, %dma_start3A_92] : memref<1000000x32xf32, #tpu.memory_space<hbm>> -> memref<1000000x32xf32, #tpu.memory_space<hbm>>
    tpu.enqueue_indirect_dma source(%dma_start3A_93 : memref<1000000x32xf32, #tpu.memory_space<hbm>>) target(%dma_start3A_87 : memref<128x32xf32, #tpu.memory_space<vmem>>) offsets(%dma_start3A_90 : memref<128xi32, #tpu.memory_space<vmem>>) semaphore(%arg17 : memref<!tpu.dma_semaphore, #tpu.memory_space<semaphore_mem>>)
    %dma_start3A_94 = arith.constant 2 : i32
    %dma_start3A_95 = arith.constant 256 : i32
    %dma_start3A_96 = arith.constant 0 : i32
    %dma_start3A_97 = tpu.memref_slice %arg14[%dma_start3A_95, %dma_start3A_96] : memref<512x32xf32, #tpu.memory_space<vmem>> -> memref<128x32xf32, #tpu.memory_space<vmem>>
    %dma_start3A_98 = arith.constant 0 : i32
    %dma_start3A_99 = tpu.memref_slice %arg12[%dma_start3A_94, %dma_start3A_98] : memref<4x128xi32, #tpu.memory_space<vmem>> -> memref<1x128xi32, #tpu.memory_space<vmem>>
    %dma_start3A_100 = tpu.memref_squeeze %dma_start3A_99 : memref<1x128xi32, #tpu.memory_space<vmem>> -> memref<128xi32, #tpu.memory_space<vmem>>
    %dma_start3A_101 = arith.constant 0 : i32
    %dma_start3A_102 = arith.constant 0 : i32
    %dma_start3A_103 = tpu.memref_slice %arg5[%dma_start3A_101, %dma_start3A_102] : memref<1000000x32xf32, #tpu.memory_space<hbm>> -> memref<1000000x32xf32, #tpu.memory_space<hbm>>
    tpu.enqueue_indirect_dma source(%dma_start3A_103 : memref<1000000x32xf32, #tpu.memory_space<hbm>>) target(%dma_start3A_97 : memref<128x32xf32, #tpu.memory_space<vmem>>) offsets(%dma_start3A_100 : memref<128xi32, #tpu.memory_space<vmem>>) semaphore(%arg17 : memref<!tpu.dma_semaphore, #tpu.memory_space<semaphore_mem>>)
    %dma_start3A_104 = arith.constant 2 : i32
    %dma_start3A_105 = arith.constant 256 : i32
    %dma_start3A_106 = arith.constant 0 : i32
    %dma_start3A_107 = tpu.memref_slice %arg15[%dma_start3A_105, %dma_start3A_106] : memref<512x32xf32, #tpu.memory_space<vmem>> -> memref<128x32xf32, #tpu.memory_space<vmem>>
    %dma_start3A_108 = arith.constant 0 : i32
    %dma_start3A_109 = tpu.memref_slice %arg11[%dma_start3A_104, %dma_start3A_108] : memref<4x128xi32, #tpu.memory_space<vmem>> -> memref<1x128xi32, #tpu.memory_space<vmem>>
    %dma_start3A_110 = tpu.memref_squeeze %dma_start3A_109 : memref<1x128xi32, #tpu.memory_space<vmem>> -> memref<128xi32, #tpu.memory_space<vmem>>
    %dma_start3A_111 = arith.constant 0 : i32
    %dma_start3A_112 = arith.constant 0 : i32
    %dma_start3A_113 = tpu.memref_slice %arg6[%dma_start3A_111, %dma_start3A_112] : memref<1000000x32xf32, #tpu.memory_space<hbm>> -> memref<1000000x32xf32, #tpu.memory_space<hbm>>
    tpu.enqueue_indirect_dma source(%dma_start3A_113 : memref<1000000x32xf32, #tpu.memory_space<hbm>>) target(%dma_start3A_107 : memref<128x32xf32, #tpu.memory_space<vmem>>) offsets(%dma_start3A_110 : memref<128xi32, #tpu.memory_space<vmem>>) semaphore(%arg17 : memref<!tpu.dma_semaphore, #tpu.memory_space<semaphore_mem>>)
    %dma_start3A_114 = arith.constant 2 : i32
    %dma_start3A_115 = arith.constant 256 : i32
    %dma_start3A_116 = arith.constant 0 : i32
    %dma_start3A_117 = tpu.memref_slice %arg16[%dma_start3A_115, %dma_start3A_116] : memref<512x32xf32, #tpu.memory_space<vmem>> -> memref<128x32xf32, #tpu.memory_space<vmem>>
    %dma_start3A_118 = arith.constant 0 : i32
    %dma_start3A_119 = tpu.memref_slice %arg12[%dma_start3A_114, %dma_start3A_118] : memref<4x128xi32, #tpu.memory_space<vmem>> -> memref<1x128xi32, #tpu.memory_space<vmem>>
    %dma_start3A_120 = tpu.memref_squeeze %dma_start3A_119 : memref<1x128xi32, #tpu.memory_space<vmem>> -> memref<128xi32, #tpu.memory_space<vmem>>
    %dma_start3A_121 = arith.constant 0 : i32
    %dma_start3A_122 = arith.constant 0 : i32
    %dma_start3A_123 = tpu.memref_slice %arg7[%dma_start3A_121, %dma_start3A_122] : memref<1000000x32xf32, #tpu.memory_space<hbm>> -> memref<1000000x32xf32, #tpu.memory_space<hbm>>
    tpu.enqueue_indirect_dma source(%dma_start3A_123 : memref<1000000x32xf32, #tpu.memory_space<hbm>>) target(%dma_start3A_117 : memref<128x32xf32, #tpu.memory_space<vmem>>) offsets(%dma_start3A_120 : memref<128xi32, #tpu.memory_space<vmem>>) semaphore(%arg17 : memref<!tpu.dma_semaphore, #tpu.memory_space<semaphore_mem>>)
    %dma_start3A_124 = arith.constant 3 : i32
    %dma_start3A_125 = arith.constant 384 : i32
    %dma_start3A_126 = arith.constant 0 : i32
    %dma_start3A_127 = tpu.memref_slice %arg13[%dma_start3A_125, %dma_start3A_126] : memref<512x32xf32, #tpu.memory_space<vmem>> -> memref<128x32xf32, #tpu.memory_space<vmem>>
    %dma_start3A_128 = arith.constant 0 : i32
    %dma_start3A_129 = tpu.memref_slice %arg11[%dma_start3A_124, %dma_start3A_128] : memref<4x128xi32, #tpu.memory_space<vmem>> -> memref<1x128xi32, #tpu.memory_space<vmem>>
    %dma_start3A_130 = tpu.memref_squeeze %dma_start3A_129 : memref<1x128xi32, #tpu.memory_space<vmem>> -> memref<128xi32, #tpu.memory_space<vmem>>
    %dma_start3A_131 = arith.constant 0 : i32
    %dma_start3A_132 = arith.constant 0 : i32
    %dma_start3A_133 = tpu.memref_slice %arg4[%dma_start3A_131, %dma_start3A_132] : memref<1000000x32xf32, #tpu.memory_space<hbm>> -> memref<1000000x32xf32, #tpu.memory_space<hbm>>
    tpu.enqueue_indirect_dma source(%dma_start3A_133 : memref<1000000x32xf32, #tpu.memory_space<hbm>>) target(%dma_start3A_127 : memref<128x32xf32, #tpu.memory_space<vmem>>) offsets(%dma_start3A_130 : memref<128xi32, #tpu.memory_space<vmem>>) semaphore(%arg17 : memref<!tpu.dma_semaphore, #tpu.memory_space<semaphore_mem>>)
    %dma_start3A_134 = arith.constant 3 : i32
    %dma_start3A_135 = arith.constant 384 : i32
    %dma_start3A_136 = arith.constant 0 : i32
    %dma_start3A_137 = tpu.memref_slice %arg14[%dma_start3A_135, %dma_start3A_136] : memref<512x32xf32, #tpu.memory_space<vmem>> -> memref<128x32xf32, #tpu.memory_space<vmem>>
    %dma_start3A_138 = arith.constant 0 : i32
    %dma_start3A_139 = tpu.memref_slice %arg12[%dma_start3A_134, %dma_start3A_138] : memref<4x128xi32, #tpu.memory_space<vmem>> -> memref<1x128xi32, #tpu.memory_space<vmem>>
    %dma_start3A_140 = tpu.memref_squeeze %dma_start3A_139 : memref<1x128xi32, #tpu.memory_space<vmem>> -> memref<128xi32, #tpu.memory_space<vmem>>
    %dma_start3A_141 = arith.constant 0 : i32
    %dma_start3A_142 = arith.constant 0 : i32
    %dma_start3A_143 = tpu.memref_slice %arg5[%dma_start3A_141, %dma_start3A_142] : memref<1000000x32xf32, #tpu.memory_space<hbm>> -> memref<1000000x32xf32, #tpu.memory_space<hbm>>
    tpu.enqueue_indirect_dma source(%dma_start3A_143 : memref<1000000x32xf32, #tpu.memory_space<hbm>>) target(%dma_start3A_137 : memref<128x32xf32, #tpu.memory_space<vmem>>) offsets(%dma_start3A_140 : memref<128xi32, #tpu.memory_space<vmem>>) semaphore(%arg17 : memref<!tpu.dma_semaphore, #tpu.memory_space<semaphore_mem>>)
    %dma_start3A_144 = arith.constant 3 : i32
    %dma_start3A_145 = arith.constant 384 : i32
    %dma_start3A_146 = arith.constant 0 : i32
    %dma_start3A_147 = tpu.memref_slice %arg15[%dma_start3A_145, %dma_start3A_146] : memref<512x32xf32, #tpu.memory_space<vmem>> -> memref<128x32xf32, #tpu.memory_space<vmem>>
    %dma_start3A_148 = arith.constant 0 : i32
    %dma_start3A_149 = tpu.memref_slice %arg11[%dma_start3A_144, %dma_start3A_148] : memref<4x128xi32, #tpu.memory_space<vmem>> -> memref<1x128xi32, #tpu.memory_space<vmem>>
    %dma_start3A_150 = tpu.memref_squeeze %dma_start3A_149 : memref<1x128xi32, #tpu.memory_space<vmem>> -> memref<128xi32, #tpu.memory_space<vmem>>
    %dma_start3A_151 = arith.constant 0 : i32
    %dma_start3A_152 = arith.constant 0 : i32
    %dma_start3A_153 = tpu.memref_slice %arg6[%dma_start3A_151, %dma_start3A_152] : memref<1000000x32xf32, #tpu.memory_space<hbm>> -> memref<1000000x32xf32, #tpu.memory_space<hbm>>
    tpu.enqueue_indirect_dma source(%dma_start3A_153 : memref<1000000x32xf32, #tpu.memory_space<hbm>>) target(%dma_start3A_147 : memref<128x32xf32, #tpu.memory_space<vmem>>) offsets(%dma_start3A_150 : memref<128xi32, #tpu.memory_space<vmem>>) semaphore(%arg17 : memref<!tpu.dma_semaphore, #tpu.memory_space<semaphore_mem>>)
    %dma_start3A_154 = arith.constant 3 : i32
    %dma_start3A_155 = arith.constant 384 : i32
    %dma_start3A_156 = arith.constant 0 : i32
    %dma_start3A_157 = tpu.memref_slice %arg16[%dma_start3A_155, %dma_start3A_156] : memref<512x32xf32, #tpu.memory_space<vmem>> -> memref<128x32xf32, #tpu.memory_space<vmem>>
    %dma_start3A_158 = arith.constant 0 : i32
    %dma_start3A_159 = tpu.memref_slice %arg12[%dma_start3A_154, %dma_start3A_158] : memref<4x128xi32, #tpu.memory_space<vmem>> -> memref<1x128xi32, #tpu.memory_space<vmem>>
    %dma_start3A_160 = tpu.memref_squeeze %dma_start3A_159 : memref<1x128xi32, #tpu.memory_space<vmem>> -> memref<128xi32, #tpu.memory_space<vmem>>
    %dma_start3A_161 = arith.constant 0 : i32
    %dma_start3A_162 = arith.constant 0 : i32
    %dma_start3A_163 = tpu.memref_slice %arg7[%dma_start3A_161, %dma_start3A_162] : memref<1000000x32xf32, #tpu.memory_space<hbm>> -> memref<1000000x32xf32, #tpu.memory_space<hbm>>
    tpu.enqueue_indirect_dma source(%dma_start3A_163 : memref<1000000x32xf32, #tpu.memory_space<hbm>>) target(%dma_start3A_157 : memref<128x32xf32, #tpu.memory_space<vmem>>) offsets(%dma_start3A_160 : memref<128xi32, #tpu.memory_space<vmem>>) semaphore(%arg17 : memref<!tpu.dma_semaphore, #tpu.memory_space<semaphore_mem>>)
    %dma_wait3A = arith.constant 0 : i32
    %dma_wait3A_164 = arith.constant 0 : i32
    %dma_wait3A_165 = arith.constant 0 : i32
    %dma_wait3A_166 = tpu.memref_slice %arg13[%dma_wait3A_164, %dma_wait3A_165] : memref<512x32xf32, #tpu.memory_space<vmem>> -> memref<128x32xf32, #tpu.memory_space<vmem>>
    %dma_wait3A_167 = arith.constant 0 : i32
    %dma_wait3A_168 = tpu.memref_slice %arg11[%dma_wait3A, %dma_wait3A_167] : memref<4x128xi32, #tpu.memory_space<vmem>> -> memref<1x128xi32, #tpu.memory_space<vmem>>
    %dma_wait3A_169 = tpu.memref_squeeze %dma_wait3A_168 : memref<1x128xi32, #tpu.memory_space<vmem>> -> memref<128xi32, #tpu.memory_space<vmem>>
    %dma_wait3A_170 = arith.constant 0 : i32
    %dma_wait3A_171 = arith.constant 0 : i32
    %dma_wait3A_172 = tpu.memref_slice %arg4[%dma_wait3A_170, %dma_wait3A_171] : memref<1000000x32xf32, #tpu.memory_space<hbm>> -> memref<1000000x32xf32, #tpu.memory_space<hbm>>
    tpu.wait_indirect_dma semaphore(%arg17 : memref<!tpu.dma_semaphore, #tpu.memory_space<semaphore_mem>>) src(%dma_wait3A_172 : memref<1000000x32xf32, #tpu.memory_space<hbm>>) dst(%dma_wait3A_166 : memref<128x32xf32, #tpu.memory_space<vmem>>)
    %dma_wait3A_173 = arith.constant 0 : i32
    %dma_wait3A_174 = arith.constant 0 : i32
    %dma_wait3A_175 = arith.constant 0 : i32
    %dma_wait3A_176 = tpu.memref_slice %arg14[%dma_wait3A_174, %dma_wait3A_175] : memref<512x32xf32, #tpu.memory_space<vmem>> -> memref<128x32xf32, #tpu.memory_space<vmem>>
    %dma_wait3A_177 = arith.constant 0 : i32
    %dma_wait3A_178 = tpu.memref_slice %arg12[%dma_wait3A_173, %dma_wait3A_177] : memref<4x128xi32, #tpu.memory_space<vmem>> -> memref<1x128xi32, #tpu.memory_space<vmem>>
    %dma_wait3A_179 = tpu.memref_squeeze %dma_wait3A_178 : memref<1x128xi32, #tpu.memory_space<vmem>> -> memref<128xi32, #tpu.memory_space<vmem>>
    %dma_wait3A_180 = arith.constant 0 : i32
    %dma_wait3A_181 = arith.constant 0 : i32
    %dma_wait3A_182 = tpu.memref_slice %arg5[%dma_wait3A_180, %dma_wait3A_181] : memref<1000000x32xf32, #tpu.memory_space<hbm>> -> memref<1000000x32xf32, #tpu.memory_space<hbm>>
    tpu.wait_indirect_dma semaphore(%arg17 : memref<!tpu.dma_semaphore, #tpu.memory_space<semaphore_mem>>) src(%dma_wait3A_182 : memref<1000000x32xf32, #tpu.memory_space<hbm>>) dst(%dma_wait3A_176 : memref<128x32xf32, #tpu.memory_space<vmem>>)
    %dma_wait3A_183 = arith.constant 0 : i32
    %dma_wait3A_184 = arith.constant 0 : i32
    %dma_wait3A_185 = arith.constant 0 : i32
    %dma_wait3A_186 = tpu.memref_slice %arg15[%dma_wait3A_184, %dma_wait3A_185] : memref<512x32xf32, #tpu.memory_space<vmem>> -> memref<128x32xf32, #tpu.memory_space<vmem>>
    %dma_wait3A_187 = arith.constant 0 : i32
    %dma_wait3A_188 = tpu.memref_slice %arg11[%dma_wait3A_183, %dma_wait3A_187] : memref<4x128xi32, #tpu.memory_space<vmem>> -> memref<1x128xi32, #tpu.memory_space<vmem>>
    %dma_wait3A_189 = tpu.memref_squeeze %dma_wait3A_188 : memref<1x128xi32, #tpu.memory_space<vmem>> -> memref<128xi32, #tpu.memory_space<vmem>>
    %dma_wait3A_190 = arith.constant 0 : i32
    %dma_wait3A_191 = arith.constant 0 : i32
    %dma_wait3A_192 = tpu.memref_slice %arg6[%dma_wait3A_190, %dma_wait3A_191] : memref<1000000x32xf32, #tpu.memory_space<hbm>> -> memref<1000000x32xf32, #tpu.memory_space<hbm>>
    tpu.wait_indirect_dma semaphore(%arg17 : memref<!tpu.dma_semaphore, #tpu.memory_space<semaphore_mem>>) src(%dma_wait3A_192 : memref<1000000x32xf32, #tpu.memory_space<hbm>>) dst(%dma_wait3A_186 : memref<128x32xf32, #tpu.memory_space<vmem>>)
    %dma_wait3A_193 = arith.constant 0 : i32
    %dma_wait3A_194 = arith.constant 0 : i32
    %dma_wait3A_195 = arith.constant 0 : i32
    %dma_wait3A_196 = tpu.memref_slice %arg16[%dma_wait3A_194, %dma_wait3A_195] : memref<512x32xf32, #tpu.memory_space<vmem>> -> memref<128x32xf32, #tpu.memory_space<vmem>>
    %dma_wait3A_197 = arith.constant 0 : i32
    %dma_wait3A_198 = tpu.memref_slice %arg12[%dma_wait3A_193, %dma_wait3A_197] : memref<4x128xi32, #tpu.memory_space<vmem>> -> memref<1x128xi32, #tpu.memory_space<vmem>>
    %dma_wait3A_199 = tpu.memref_squeeze %dma_wait3A_198 : memref<1x128xi32, #tpu.memory_space<vmem>> -> memref<128xi32, #tpu.memory_space<vmem>>
    %dma_wait3A_200 = arith.constant 0 : i32
    %dma_wait3A_201 = arith.constant 0 : i32
    %dma_wait3A_202 = tpu.memref_slice %arg7[%dma_wait3A_200, %dma_wait3A_201] : memref<1000000x32xf32, #tpu.memory_space<hbm>> -> memref<1000000x32xf32, #tpu.memory_space<hbm>>
    tpu.wait_indirect_dma semaphore(%arg17 : memref<!tpu.dma_semaphore, #tpu.memory_space<semaphore_mem>>) src(%dma_wait3A_202 : memref<1000000x32xf32, #tpu.memory_space<hbm>>) dst(%dma_wait3A_196 : memref<128x32xf32, #tpu.memory_space<vmem>>)
    %dma_wait3A_203 = arith.constant 1 : i32
    %dma_wait3A_204 = arith.constant 128 : i32
    %dma_wait3A_205 = arith.constant 0 : i32
    %dma_wait3A_206 = tpu.memref_slice %arg13[%dma_wait3A_204, %dma_wait3A_205] : memref<512x32xf32, #tpu.memory_space<vmem>> -> memref<128x32xf32, #tpu.memory_space<vmem>>
    %dma_wait3A_207 = arith.constant 0 : i32
    %dma_wait3A_208 = tpu.memref_slice %arg11[%dma_wait3A_203, %dma_wait3A_207] : memref<4x128xi32, #tpu.memory_space<vmem>> -> memref<1x128xi32, #tpu.memory_space<vmem>>
    %dma_wait3A_209 = tpu.memref_squeeze %dma_wait3A_208 : memref<1x128xi32, #tpu.memory_space<vmem>> -> memref<128xi32, #tpu.memory_space<vmem>>
    %dma_wait3A_210 = arith.constant 0 : i32
    %dma_wait3A_211 = arith.constant 0 : i32
    %dma_wait3A_212 = tpu.memref_slice %arg4[%dma_wait3A_210, %dma_wait3A_211] : memref<1000000x32xf32, #tpu.memory_space<hbm>> -> memref<1000000x32xf32, #tpu.memory_space<hbm>>
    tpu.wait_indirect_dma semaphore(%arg17 : memref<!tpu.dma_semaphore, #tpu.memory_space<semaphore_mem>>) src(%dma_wait3A_212 : memref<1000000x32xf32, #tpu.memory_space<hbm>>) dst(%dma_wait3A_206 : memref<128x32xf32, #tpu.memory_space<vmem>>)
    %dma_wait3A_213 = arith.constant 1 : i32
    %dma_wait3A_214 = arith.constant 128 : i32
    %dma_wait3A_215 = arith.constant 0 : i32
    %dma_wait3A_216 = tpu.memref_slice %arg14[%dma_wait3A_214, %dma_wait3A_215] : memref<512x32xf32, #tpu.memory_space<vmem>> -> memref<128x32xf32, #tpu.memory_space<vmem>>
    %dma_wait3A_217 = arith.constant 0 : i32
    %dma_wait3A_218 = tpu.memref_slice %arg12[%dma_wait3A_213, %dma_wait3A_217] : memref<4x128xi32, #tpu.memory_space<vmem>> -> memref<1x128xi32, #tpu.memory_space<vmem>>
    %dma_wait3A_219 = tpu.memref_squeeze %dma_wait3A_218 : memref<1x128xi32, #tpu.memory_space<vmem>> -> memref<128xi32, #tpu.memory_space<vmem>>
    %dma_wait3A_220 = arith.constant 0 : i32
    %dma_wait3A_221 = arith.constant 0 : i32
    %dma_wait3A_222 = tpu.memref_slice %arg5[%dma_wait3A_220, %dma_wait3A_221] : memref<1000000x32xf32, #tpu.memory_space<hbm>> -> memref<1000000x32xf32, #tpu.memory_space<hbm>>
    tpu.wait_indirect_dma semaphore(%arg17 : memref<!tpu.dma_semaphore, #tpu.memory_space<semaphore_mem>>) src(%dma_wait3A_222 : memref<1000000x32xf32, #tpu.memory_space<hbm>>) dst(%dma_wait3A_216 : memref<128x32xf32, #tpu.memory_space<vmem>>)
    %dma_wait3A_223 = arith.constant 1 : i32
    %dma_wait3A_224 = arith.constant 128 : i32
    %dma_wait3A_225 = arith.constant 0 : i32
    %dma_wait3A_226 = tpu.memref_slice %arg15[%dma_wait3A_224, %dma_wait3A_225] : memref<512x32xf32, #tpu.memory_space<vmem>> -> memref<128x32xf32, #tpu.memory_space<vmem>>
    %dma_wait3A_227 = arith.constant 0 : i32
    %dma_wait3A_228 = tpu.memref_slice %arg11[%dma_wait3A_223, %dma_wait3A_227] : memref<4x128xi32, #tpu.memory_space<vmem>> -> memref<1x128xi32, #tpu.memory_space<vmem>>
    %dma_wait3A_229 = tpu.memref_squeeze %dma_wait3A_228 : memref<1x128xi32, #tpu.memory_space<vmem>> -> memref<128xi32, #tpu.memory_space<vmem>>
    %dma_wait3A_230 = arith.constant 0 : i32
    %dma_wait3A_231 = arith.constant 0 : i32
    %dma_wait3A_232 = tpu.memref_slice %arg6[%dma_wait3A_230, %dma_wait3A_231] : memref<1000000x32xf32, #tpu.memory_space<hbm>> -> memref<1000000x32xf32, #tpu.memory_space<hbm>>
    tpu.wait_indirect_dma semaphore(%arg17 : memref<!tpu.dma_semaphore, #tpu.memory_space<semaphore_mem>>) src(%dma_wait3A_232 : memref<1000000x32xf32, #tpu.memory_space<hbm>>) dst(%dma_wait3A_226 : memref<128x32xf32, #tpu.memory_space<vmem>>)
    %dma_wait3A_233 = arith.constant 1 : i32
    %dma_wait3A_234 = arith.constant 128 : i32
    %dma_wait3A_235 = arith.constant 0 : i32
    %dma_wait3A_236 = tpu.memref_slice %arg16[%dma_wait3A_234, %dma_wait3A_235] : memref<512x32xf32, #tpu.memory_space<vmem>> -> memref<128x32xf32, #tpu.memory_space<vmem>>
    %dma_wait3A_237 = arith.constant 0 : i32
    %dma_wait3A_238 = tpu.memref_slice %arg12[%dma_wait3A_233, %dma_wait3A_237] : memref<4x128xi32, #tpu.memory_space<vmem>> -> memref<1x128xi32, #tpu.memory_space<vmem>>
    %dma_wait3A_239 = tpu.memref_squeeze %dma_wait3A_238 : memref<1x128xi32, #tpu.memory_space<vmem>> -> memref<128xi32, #tpu.memory_space<vmem>>
    %dma_wait3A_240 = arith.constant 0 : i32
    %dma_wait3A_241 = arith.constant 0 : i32
    %dma_wait3A_242 = tpu.memref_slice %arg7[%dma_wait3A_240, %dma_wait3A_241] : memref<1000000x32xf32, #tpu.memory_space<hbm>> -> memref<1000000x32xf32, #tpu.memory_space<hbm>>
    tpu.wait_indirect_dma semaphore(%arg17 : memref<!tpu.dma_semaphore, #tpu.memory_space<semaphore_mem>>) src(%dma_wait3A_242 : memref<1000000x32xf32, #tpu.memory_space<hbm>>) dst(%dma_wait3A_236 : memref<128x32xf32, #tpu.memory_space<vmem>>)
    %dma_wait3A_243 = arith.constant 2 : i32
    %dma_wait3A_244 = arith.constant 256 : i32
    %dma_wait3A_245 = arith.constant 0 : i32
    %dma_wait3A_246 = tpu.memref_slice %arg13[%dma_wait3A_244, %dma_wait3A_245] : memref<512x32xf32, #tpu.memory_space<vmem>> -> memref<128x32xf32, #tpu.memory_space<vmem>>
    %dma_wait3A_247 = arith.constant 0 : i32
    %dma_wait3A_248 = tpu.memref_slice %arg11[%dma_wait3A_243, %dma_wait3A_247] : memref<4x128xi32, #tpu.memory_space<vmem>> -> memref<1x128xi32, #tpu.memory_space<vmem>>
    %dma_wait3A_249 = tpu.memref_squeeze %dma_wait3A_248 : memref<1x128xi32, #tpu.memory_space<vmem>> -> memref<128xi32, #tpu.memory_space<vmem>>
    %dma_wait3A_250 = arith.constant 0 : i32
    %dma_wait3A_251 = arith.constant 0 : i32
    %dma_wait3A_252 = tpu.memref_slice %arg4[%dma_wait3A_250, %dma_wait3A_251] : memref<1000000x32xf32, #tpu.memory_space<hbm>> -> memref<1000000x32xf32, #tpu.memory_space<hbm>>
    tpu.wait_indirect_dma semaphore(%arg17 : memref<!tpu.dma_semaphore, #tpu.memory_space<semaphore_mem>>) src(%dma_wait3A_252 : memref<1000000x32xf32, #tpu.memory_space<hbm>>) dst(%dma_wait3A_246 : memref<128x32xf32, #tpu.memory_space<vmem>>)
    %dma_wait3A_253 = arith.constant 2 : i32
    %dma_wait3A_254 = arith.constant 256 : i32
    %dma_wait3A_255 = arith.constant 0 : i32
    %dma_wait3A_256 = tpu.memref_slice %arg14[%dma_wait3A_254, %dma_wait3A_255] : memref<512x32xf32, #tpu.memory_space<vmem>> -> memref<128x32xf32, #tpu.memory_space<vmem>>
    %dma_wait3A_257 = arith.constant 0 : i32
    %dma_wait3A_258 = tpu.memref_slice %arg12[%dma_wait3A_253, %dma_wait3A_257] : memref<4x128xi32, #tpu.memory_space<vmem>> -> memref<1x128xi32, #tpu.memory_space<vmem>>
    %dma_wait3A_259 = tpu.memref_squeeze %dma_wait3A_258 : memref<1x128xi32, #tpu.memory_space<vmem>> -> memref<128xi32, #tpu.memory_space<vmem>>
    %dma_wait3A_260 = arith.constant 0 : i32
    %dma_wait3A_261 = arith.constant 0 : i32
    %dma_wait3A_262 = tpu.memref_slice %arg5[%dma_wait3A_260, %dma_wait3A_261] : memref<1000000x32xf32, #tpu.memory_space<hbm>> -> memref<1000000x32xf32, #tpu.memory_space<hbm>>
    tpu.wait_indirect_dma semaphore(%arg17 : memref<!tpu.dma_semaphore, #tpu.memory_space<semaphore_mem>>) src(%dma_wait3A_262 : memref<1000000x32xf32, #tpu.memory_space<hbm>>) dst(%dma_wait3A_256 : memref<128x32xf32, #tpu.memory_space<vmem>>)
    %dma_wait3A_263 = arith.constant 2 : i32
    %dma_wait3A_264 = arith.constant 256 : i32
    %dma_wait3A_265 = arith.constant 0 : i32
    %dma_wait3A_266 = tpu.memref_slice %arg15[%dma_wait3A_264, %dma_wait3A_265] : memref<512x32xf32, #tpu.memory_space<vmem>> -> memref<128x32xf32, #tpu.memory_space<vmem>>
    %dma_wait3A_267 = arith.constant 0 : i32
    %dma_wait3A_268 = tpu.memref_slice %arg11[%dma_wait3A_263, %dma_wait3A_267] : memref<4x128xi32, #tpu.memory_space<vmem>> -> memref<1x128xi32, #tpu.memory_space<vmem>>
    %dma_wait3A_269 = tpu.memref_squeeze %dma_wait3A_268 : memref<1x128xi32, #tpu.memory_space<vmem>> -> memref<128xi32, #tpu.memory_space<vmem>>
    %dma_wait3A_270 = arith.constant 0 : i32
    %dma_wait3A_271 = arith.constant 0 : i32
    %dma_wait3A_272 = tpu.memref_slice %arg6[%dma_wait3A_270, %dma_wait3A_271] : memref<1000000x32xf32, #tpu.memory_space<hbm>> -> memref<1000000x32xf32, #tpu.memory_space<hbm>>
    tpu.wait_indirect_dma semaphore(%arg17 : memref<!tpu.dma_semaphore, #tpu.memory_space<semaphore_mem>>) src(%dma_wait3A_272 : memref<1000000x32xf32, #tpu.memory_space<hbm>>) dst(%dma_wait3A_266 : memref<128x32xf32, #tpu.memory_space<vmem>>)
    %dma_wait3A_273 = arith.constant 2 : i32
    %dma_wait3A_274 = arith.constant 256 : i32
    %dma_wait3A_275 = arith.constant 0 : i32
    %dma_wait3A_276 = tpu.memref_slice %arg16[%dma_wait3A_274, %dma_wait3A_275] : memref<512x32xf32, #tpu.memory_space<vmem>> -> memref<128x32xf32, #tpu.memory_space<vmem>>
    %dma_wait3A_277 = arith.constant 0 : i32
    %dma_wait3A_278 = tpu.memref_slice %arg12[%dma_wait3A_273, %dma_wait3A_277] : memref<4x128xi32, #tpu.memory_space<vmem>> -> memref<1x128xi32, #tpu.memory_space<vmem>>
    %dma_wait3A_279 = tpu.memref_squeeze %dma_wait3A_278 : memref<1x128xi32, #tpu.memory_space<vmem>> -> memref<128xi32, #tpu.memory_space<vmem>>
    %dma_wait3A_280 = arith.constant 0 : i32
    %dma_wait3A_281 = arith.constant 0 : i32
    %dma_wait3A_282 = tpu.memref_slice %arg7[%dma_wait3A_280, %dma_wait3A_281] : memref<1000000x32xf32, #tpu.memory_space<hbm>> -> memref<1000000x32xf32, #tpu.memory_space<hbm>>
    tpu.wait_indirect_dma semaphore(%arg17 : memref<!tpu.dma_semaphore, #tpu.memory_space<semaphore_mem>>) src(%dma_wait3A_282 : memref<1000000x32xf32, #tpu.memory_space<hbm>>) dst(%dma_wait3A_276 : memref<128x32xf32, #tpu.memory_space<vmem>>)
    %dma_wait3A_283 = arith.constant 3 : i32
    %dma_wait3A_284 = arith.constant 384 : i32
    %dma_wait3A_285 = arith.constant 0 : i32
    %dma_wait3A_286 = tpu.memref_slice %arg13[%dma_wait3A_284, %dma_wait3A_285] : memref<512x32xf32, #tpu.memory_space<vmem>> -> memref<128x32xf32, #tpu.memory_space<vmem>>
    %dma_wait3A_287 = arith.constant 0 : i32
    %dma_wait3A_288 = tpu.memref_slice %arg11[%dma_wait3A_283, %dma_wait3A_287] : memref<4x128xi32, #tpu.memory_space<vmem>> -> memref<1x128xi32, #tpu.memory_space<vmem>>
    %dma_wait3A_289 = tpu.memref_squeeze %dma_wait3A_288 : memref<1x128xi32, #tpu.memory_space<vmem>> -> memref<128xi32, #tpu.memory_space<vmem>>
    %dma_wait3A_290 = arith.constant 0 : i32
    %dma_wait3A_291 = arith.constant 0 : i32
    %dma_wait3A_292 = tpu.memref_slice %arg4[%dma_wait3A_290, %dma_wait3A_291] : memref<1000000x32xf32, #tpu.memory_space<hbm>> -> memref<1000000x32xf32, #tpu.memory_space<hbm>>
    tpu.wait_indirect_dma semaphore(%arg17 : memref<!tpu.dma_semaphore, #tpu.memory_space<semaphore_mem>>) src(%dma_wait3A_292 : memref<1000000x32xf32, #tpu.memory_space<hbm>>) dst(%dma_wait3A_286 : memref<128x32xf32, #tpu.memory_space<vmem>>)
    %dma_wait3A_293 = arith.constant 3 : i32
    %dma_wait3A_294 = arith.constant 384 : i32
    %dma_wait3A_295 = arith.constant 0 : i32
    %dma_wait3A_296 = tpu.memref_slice %arg14[%dma_wait3A_294, %dma_wait3A_295] : memref<512x32xf32, #tpu.memory_space<vmem>> -> memref<128x32xf32, #tpu.memory_space<vmem>>
    %dma_wait3A_297 = arith.constant 0 : i32
    %dma_wait3A_298 = tpu.memref_slice %arg12[%dma_wait3A_293, %dma_wait3A_297] : memref<4x128xi32, #tpu.memory_space<vmem>> -> memref<1x128xi32, #tpu.memory_space<vmem>>
    %dma_wait3A_299 = tpu.memref_squeeze %dma_wait3A_298 : memref<1x128xi32, #tpu.memory_space<vmem>> -> memref<128xi32, #tpu.memory_space<vmem>>
    %dma_wait3A_300 = arith.constant 0 : i32
    %dma_wait3A_301 = arith.constant 0 : i32
    %dma_wait3A_302 = tpu.memref_slice %arg5[%dma_wait3A_300, %dma_wait3A_301] : memref<1000000x32xf32, #tpu.memory_space<hbm>> -> memref<1000000x32xf32, #tpu.memory_space<hbm>>
    tpu.wait_indirect_dma semaphore(%arg17 : memref<!tpu.dma_semaphore, #tpu.memory_space<semaphore_mem>>) src(%dma_wait3A_302 : memref<1000000x32xf32, #tpu.memory_space<hbm>>) dst(%dma_wait3A_296 : memref<128x32xf32, #tpu.memory_space<vmem>>)
    %dma_wait3A_303 = arith.constant 3 : i32
    %dma_wait3A_304 = arith.constant 384 : i32
    %dma_wait3A_305 = arith.constant 0 : i32
    %dma_wait3A_306 = tpu.memref_slice %arg15[%dma_wait3A_304, %dma_wait3A_305] : memref<512x32xf32, #tpu.memory_space<vmem>> -> memref<128x32xf32, #tpu.memory_space<vmem>>
    %dma_wait3A_307 = arith.constant 0 : i32
    %dma_wait3A_308 = tpu.memref_slice %arg11[%dma_wait3A_303, %dma_wait3A_307] : memref<4x128xi32, #tpu.memory_space<vmem>> -> memref<1x128xi32, #tpu.memory_space<vmem>>
    %dma_wait3A_309 = tpu.memref_squeeze %dma_wait3A_308 : memref<1x128xi32, #tpu.memory_space<vmem>> -> memref<128xi32, #tpu.memory_space<vmem>>
    %dma_wait3A_310 = arith.constant 0 : i32
    %dma_wait3A_311 = arith.constant 0 : i32
    %dma_wait3A_312 = tpu.memref_slice %arg6[%dma_wait3A_310, %dma_wait3A_311] : memref<1000000x32xf32, #tpu.memory_space<hbm>> -> memref<1000000x32xf32, #tpu.memory_space<hbm>>
    tpu.wait_indirect_dma semaphore(%arg17 : memref<!tpu.dma_semaphore, #tpu.memory_space<semaphore_mem>>) src(%dma_wait3A_312 : memref<1000000x32xf32, #tpu.memory_space<hbm>>) dst(%dma_wait3A_306 : memref<128x32xf32, #tpu.memory_space<vmem>>)
    %dma_wait3A_313 = arith.constant 3 : i32
    %dma_wait3A_314 = arith.constant 384 : i32
    %dma_wait3A_315 = arith.constant 0 : i32
    %dma_wait3A_316 = tpu.memref_slice %arg16[%dma_wait3A_314, %dma_wait3A_315] : memref<512x32xf32, #tpu.memory_space<vmem>> -> memref<128x32xf32, #tpu.memory_space<vmem>>
    %dma_wait3A_317 = arith.constant 0 : i32
    %dma_wait3A_318 = tpu.memref_slice %arg12[%dma_wait3A_313, %dma_wait3A_317] : memref<4x128xi32, #tpu.memory_space<vmem>> -> memref<1x128xi32, #tpu.memory_space<vmem>>
    %dma_wait3A_319 = tpu.memref_squeeze %dma_wait3A_318 : memref<1x128xi32, #tpu.memory_space<vmem>> -> memref<128xi32, #tpu.memory_space<vmem>>
    %dma_wait3A_320 = arith.constant 0 : i32
    %dma_wait3A_321 = arith.constant 0 : i32
    %dma_wait3A_322 = tpu.memref_slice %arg7[%dma_wait3A_320, %dma_wait3A_321] : memref<1000000x32xf32, #tpu.memory_space<hbm>> -> memref<1000000x32xf32, #tpu.memory_space<hbm>>
    tpu.wait_indirect_dma semaphore(%arg17 : memref<!tpu.dma_semaphore, #tpu.memory_space<semaphore_mem>>) src(%dma_wait3A_322 : memref<1000000x32xf32, #tpu.memory_space<hbm>>) dst(%dma_wait3A_316 : memref<128x32xf32, #tpu.memory_space<vmem>>)
    %scan3A = arith.constant 0 : i32
    %scan3A_323 = arith.constant 0 : i32
    %scan3A_324 = arith.constant 512 : i32
    %scan3A_325 = arith.addi %scan3A_323, %scan3A_324 : i32
    %scan3A_326 = arith.constant 4 : i32
    scf.for %scan3A_328 = %scan3A_323 to %scan3A_325 step %scan3A_326  : i32 {
      %get3A = arith.index_cast %scan3A_328 : i32 to index
      %get3A_329 = arith.constant 0 : index
      %get3A_330 = tpu.vector_load %arg13[%get3A, %get3A_329] {strides = array<i32>} : memref<512x32xf32, #tpu.memory_space<vmem>>, vector<1x16xf32>,
      %get3A_331 = vector.shape_cast %get3A_330 : vector<1x16xf32> to vector<16xf32>
      %get3A_332 = arith.index_cast %scan3A_328 : i32 to index
      %get3A_333 = arith.constant 0 : index
      %get3A_334 = tpu.vector_load %arg14[%get3A_332, %get3A_333] {strides = array<i32>} : memref<512x32xf32, #tpu.memory_space<vmem>>, vector<1x16xf32>,
      %get3A_335 = vector.shape_cast %get3A_334 : vector<1x16xf32> to vector<16xf32>
      %mul3A_336 = arith.mulf %get3A_331, %get3A_335 : vector<16xf32>
      %swap3A = arith.index_cast %scan3A_328 : i32 to index
      %swap3A_337 = arith.constant 0 : index
      %swap3A_338 = tpu.vector_load %arg13[%swap3A, %swap3A_337] {strides = array<i32>} : memref<512x32xf32, #tpu.memory_space<vmem>>, vector<1x16xf32>,
      %swap3A_339 = vector.shape_cast %swap3A_338 : vector<1x16xf32> to vector<16xf32>
      %swap3A_340 = vector.shape_cast %mul3A_336 : vector<16xf32> to vector<1x16xf32>
      tpu.vector_store %arg13[%swap3A, %swap3A_337], %swap3A_340 {strides = array<i32>} : memref<512x32xf32, #tpu.memory_space<vmem>>, vector<1x16xf32>,
      %get3A_341 = arith.index_cast %scan3A_328 : i32 to index
      %get3A_342 = arith.constant 16 : index
      %get3A_343 = tpu.vector_load %arg13[%get3A_341, %get3A_342] {strides = array<i32>} : memref<512x32xf32, #tpu.memory_space<vmem>>, vector<1x16xf32>,
      %get3A_344 = vector.shape_cast %get3A_343 : vector<1x16xf32> to vector<16xf32>
      %get3A_345 = arith.index_cast %scan3A_328 : i32 to index
      %get3A_346 = arith.constant 16 : index
      %get3A_347 = tpu.vector_load %arg14[%get3A_345, %get3A_346] {strides = array<i32>} : memref<512x32xf32, #tpu.memory_space<vmem>>, vector<1x16xf32>,
      %get3A_348 = vector.shape_cast %get3A_347 : vector<1x16xf32> to vector<16xf32>
      %mul3A_349 = arith.mulf %get3A_344, %get3A_348 : vector<16xf32>
      %swap3A_350 = arith.index_cast %scan3A_328 : i32 to index
      %swap3A_351 = arith.constant 16 : index
      %swap3A_352 = tpu.vector_load %arg13[%swap3A_350, %swap3A_351] {strides = array<i32>} : memref<512x32xf32, #tpu.memory_space<vmem>>, vector<1x16xf32>,
      %swap3A_353 = vector.shape_cast %swap3A_352 : vector<1x16xf32> to vector<16xf32>
      %swap3A_354 = vector.shape_cast %mul3A_349 : vector<16xf32> to vector<1x16xf32>
      tpu.vector_store %arg13[%swap3A_350, %swap3A_351], %swap3A_354 {strides = array<i32>} : memref<512x32xf32, #tpu.memory_space<vmem>>, vector<1x16xf32>,
      %scan3A_355 = arith.constant 1 : i32
      %scan3A_356 = arith.addi %scan3A_328, %scan3A_355 : i32
      %get3A_357 = arith.index_cast %scan3A_356 : i32 to index
      %get3A_358 = arith.constant 0 : index
      %get3A_359 = tpu.vector_load %arg13[%get3A_357, %get3A_358] {strides = array<i32>} : memref<512x32xf32, #tpu.memory_space<vmem>>, vector<1x16xf32>,
      %get3A_360 = vector.shape_cast %get3A_359 : vector<1x16xf32> to vector<16xf32>
      %get3A_361 = arith.index_cast %scan3A_356 : i32 to index
      %get3A_362 = arith.constant 0 : index
      %get3A_363 = tpu.vector_load %arg14[%get3A_361, %get3A_362] {strides = array<i32>} : memref<512x32xf32, #tpu.memory_space<vmem>>, vector<1x16xf32>,
      %get3A_364 = vector.shape_cast %get3A_363 : vector<1x16xf32> to vector<16xf32>
      %mul3A_365 = arith.mulf %get3A_360, %get3A_364 : vector<16xf32>
      %swap3A_366 = arith.index_cast %scan3A_356 : i32 to index
      %swap3A_367 = arith.constant 0 : index
      %swap3A_368 = tpu.vector_load %arg13[%swap3A_366, %swap3A_367] {strides = array<i32>} : memref<512x32xf32, #tpu.memory_space<vmem>>, vector<1x16xf32>,
      %swap3A_369 = vector.shape_cast %swap3A_368 : vector<1x16xf32> to vector<16xf32>
      %swap3A_370 = vector.shape_cast %mul3A_365 : vector<16xf32> to vector<1x16xf32>
      tpu.vector_store %arg13[%swap3A_366, %swap3A_367], %swap3A_370 {strides = array<i32>} : memref<512x32xf32, #tpu.memory_space<vmem>>, vector<1x16xf32>,
      %get3A_371 = arith.index_cast %scan3A_356 : i32 to index
      %get3A_372 = arith.constant 16 : index
      %get3A_373 = tpu.vector_load %arg13[%get3A_371, %get3A_372] {strides = array<i32>} : memref<512x32xf32, #tpu.memory_space<vmem>>, vector<1x16xf32>,
      %get3A_374 = vector.shape_cast %get3A_373 : vector<1x16xf32> to vector<16xf32>
      %get3A_375 = arith.index_cast %scan3A_356 : i32 to index
      %get3A_376 = arith.constant 16 : index
      %get3A_377 = tpu.vector_load %arg14[%get3A_375, %get3A_376] {strides = array<i32>} : memref<512x32xf32, #tpu.memory_space<vmem>>, vector<1x16xf32>,
      %get3A_378 = vector.shape_cast %get3A_377 : vector<1x16xf32> to vector<16xf32>
      %mul3A_379 = arith.mulf %get3A_374, %get3A_378 : vector<16xf32>
      %swap3A_380 = arith.index_cast %scan3A_356 : i32 to index
      %swap3A_381 = arith.constant 16 : index
      %swap3A_382 = tpu.vector_load %arg13[%swap3A_380, %swap3A_381] {strides = array<i32>} : memref<512x32xf32, #tpu.memory_space<vmem>>, vector<1x16xf32>,
      %swap3A_383 = vector.shape_cast %swap3A_382 : vector<1x16xf32> to vector<16xf32>
      %swap3A_384 = vector.shape_cast %mul3A_379 : vector<16xf32> to vector<1x16xf32>
      tpu.vector_store %arg13[%swap3A_380, %swap3A_381], %swap3A_384 {strides = array<i32>} : memref<512x32xf32, #tpu.memory_space<vmem>>, vector<1x16xf32>,
      %scan3A_385 = arith.constant 2 : i32
      %scan3A_386 = arith.addi %scan3A_328, %scan3A_385 : i32
      %get3A_387 = arith.index_cast %scan3A_386 : i32 to index
      %get3A_388 = arith.constant 0 : index
      %get3A_389 = tpu.vector_load %arg13[%get3A_387, %get3A_388] {strides = array<i32>} : memref<512x32xf32, #tpu.memory_space<vmem>>, vector<1x16xf32>,
      %get3A_390 = vector.shape_cast %get3A_389 : vector<1x16xf32> to vector<16xf32>
      %get3A_391 = arith.index_cast %scan3A_386 : i32 to index
      %get3A_392 = arith.constant 0 : index
      %get3A_393 = tpu.vector_load %arg14[%get3A_391, %get3A_392] {strides = array<i32>} : memref<512x32xf32, #tpu.memory_space<vmem>>, vector<1x16xf32>,
      %get3A_394 = vector.shape_cast %get3A_393 : vector<1x16xf32> to vector<16xf32>
      %mul3A_395 = arith.mulf %get3A_390, %get3A_394 : vector<16xf32>
      %swap3A_396 = arith.index_cast %scan3A_386 : i32 to index
      %swap3A_397 = arith.constant 0 : index
      %swap3A_398 = tpu.vector_load %arg13[%swap3A_396, %swap3A_397] {strides = array<i32>} : memref<512x32xf32, #tpu.memory_space<vmem>>, vector<1x16xf32>,
      %swap3A_399 = vector.shape_cast %swap3A_398 : vector<1x16xf32> to vector<16xf32>
      %swap3A_400 = vector.shape_cast %mul3A_395 : vector<16xf32> to vector<1x16xf32>
      tpu.vector_store %arg13[%swap3A_396, %swap3A_397], %swap3A_400 {strides = array<i32>} : memref<512x32xf32, #tpu.memory_space<vmem>>, vector<1x16xf32>,
      %get3A_401 = arith.index_cast %scan3A_386 : i32 to index
      %get3A_402 = arith.constant 16 : index
      %get3A_403 = tpu.vector_load %arg13[%get3A_401, %get3A_402] {strides = array<i32>} : memref<512x32xf32, #tpu.memory_space<vmem>>, vector<1x16xf32>,
      %get3A_404 = vector.shape_cast %get3A_403 : vector<1x16xf32> to vector<16xf32>
      %get3A_405 = arith.index_cast %scan3A_386 : i32 to index
      %get3A_406 = arith.constant 16 : index
      %get3A_407 = tpu.vector_load %arg14[%get3A_405, %get3A_406] {strides = array<i32>} : memref<512x32xf32, #tpu.memory_space<vmem>>, vector<1x16xf32>,
      %get3A_408 = vector.shape_cast %get3A_407 : vector<1x16xf32> to vector<16xf32>
      %mul3A_409 = arith.mulf %get3A_404, %get3A_408 : vector<16xf32>
      %swap3A_410 = arith.index_cast %scan3A_386 : i32 to index
      %swap3A_411 = arith.constant 16 : index
      %swap3A_412 = tpu.vector_load %arg13[%swap3A_410, %swap3A_411] {strides = array<i32>} : memref<512x32xf32, #tpu.memory_space<vmem>>, vector<1x16xf32>,
      %swap3A_413 = vector.shape_cast %swap3A_412 : vector<1x16xf32> to vector<16xf32>
      %swap3A_414 = vector.shape_cast %mul3A_409 : vector<16xf32> to vector<1x16xf32>
      tpu.vector_store %arg13[%swap3A_410, %swap3A_411], %swap3A_414 {strides = array<i32>} : memref<512x32xf32, #tpu.memory_space<vmem>>, vector<1x16xf32>,
      %scan3A_415 = arith.constant 3 : i32
      %scan3A_416 = arith.addi %scan3A_328, %scan3A_415 : i32
      %get3A_417 = arith.index_cast %scan3A_416 : i32 to index
      %get3A_418 = arith.constant 0 : index
      %get3A_419 = tpu.vector_load %arg13[%get3A_417, %get3A_418] {strides = array<i32>} : memref<512x32xf32, #tpu.memory_space<vmem>>, vector<1x16xf32>,
      %get3A_420 = vector.shape_cast %get3A_419 : vector<1x16xf32> to vector<16xf32>
      %get3A_421 = arith.index_cast %scan3A_416 : i32 to index
      %get3A_422 = arith.constant 0 : index
      %get3A_423 = tpu.vector_load %arg14[%get3A_421, %get3A_422] {strides = array<i32>} : memref<512x32xf32, #tpu.memory_space<vmem>>, vector<1x16xf32>,
      %get3A_424 = vector.shape_cast %get3A_423 : vector<1x16xf32> to vector<16xf32>
      %mul3A_425 = arith.mulf %get3A_420, %get3A_424 : vector<16xf32>
      %swap3A_426 = arith.index_cast %scan3A_416 : i32 to index
      %swap3A_427 = arith.constant 0 : index
      %swap3A_428 = tpu.vector_load %arg13[%swap3A_426, %swap3A_427] {strides = array<i32>} : memref<512x32xf32, #tpu.memory_space<vmem>>, vector<1x16xf32>,
      %swap3A_429 = vector.shape_cast %swap3A_428 : vector<1x16xf32> to vector<16xf32>
      %swap3A_430 = vector.shape_cast %mul3A_425 : vector<16xf32> to vector<1x16xf32>
      tpu.vector_store %arg13[%swap3A_426, %swap3A_427], %swap3A_430 {strides = array<i32>} : memref<512x32xf32, #tpu.memory_space<vmem>>, vector<1x16xf32>,
      %get3A_431 = arith.index_cast %scan3A_416 : i32 to index
      %get3A_432 = arith.constant 16 : index
      %get3A_433 = tpu.vector_load %arg13[%get3A_431, %get3A_432] {strides = array<i32>} : memref<512x32xf32, #tpu.memory_space<vmem>>, vector<1x16xf32>,
      %get3A_434 = vector.shape_cast %get3A_433 : vector<1x16xf32> to vector<16xf32>
      %get3A_435 = arith.index_cast %scan3A_416 : i32 to index
      %get3A_436 = arith.constant 16 : index
      %get3A_437 = tpu.vector_load %arg14[%get3A_435, %get3A_436] {strides = array<i32>} : memref<512x32xf32, #tpu.memory_space<vmem>>, vector<1x16xf32>,
      %get3A_438 = vector.shape_cast %get3A_437 : vector<1x16xf32> to vector<16xf32>
      %mul3A_439 = arith.mulf %get3A_434, %get3A_438 : vector<16xf32>
      %swap3A_440 = arith.index_cast %scan3A_416 : i32 to index
      %swap3A_441 = arith.constant 16 : index
      %swap3A_442 = tpu.vector_load %arg13[%swap3A_440, %swap3A_441] {strides = array<i32>} : memref<512x32xf32, #tpu.memory_space<vmem>>, vector<1x16xf32>,
      %swap3A_443 = vector.shape_cast %swap3A_442 : vector<1x16xf32> to vector<16xf32>
      %swap3A_444 = vector.shape_cast %mul3A_439 : vector<16xf32> to vector<1x16xf32>
      tpu.vector_store %arg13[%swap3A_440, %swap3A_441], %swap3A_444 {strides = array<i32>} : memref<512x32xf32, #tpu.memory_space<vmem>>, vector<1x16xf32>,
    }
    %scan3A_327 = arith.constant 512 : i32
    "tpu.region"() ({
      %run_scoped3A = tpu.sem_alloc : memref<!tpu.dma_semaphore, #tpu.memory_space<semaphore_mem>>
      %dma_start3A_328 = arith.constant 0 : i32
      %dma_start3A_329 = tpu.memref_slice %arg8[%mul3A_2, %dma_start3A_328] : memref<16384x32xf32, #tpu.memory_space<hbm>> -> memref<512x32xf32, #tpu.memory_space<hbm>>
      %dma_start3A_330 = arith.constant 0 : i32
      %dma_start3A_331 = tpu.memref_slice %arg8[%mul3A_2, %dma_start3A_330] : memref<16384x32xf32, #tpu.memory_space<hbm>> -> memref<512x32xf32, #tpu.memory_space<hbm>>
      tpu.enqueue_dma source(%arg13 : memref<512x32xf32, #tpu.memory_space<vmem>>) target(%dma_start3A_331 : memref<512x32xf32, #tpu.memory_space<hbm>>) target_semaphore(%run_scoped3A : memref<!tpu.dma_semaphore, #tpu.memory_space<semaphore_mem>>)
      %dma_wait3A_332 = arith.constant 0 : i32
      %dma_wait3A_333 = tpu.memref_slice %arg8[%mul3A_2, %dma_wait3A_332] : memref<16384x32xf32, #tpu.memory_space<hbm>> -> memref<512x32xf32, #tpu.memory_space<hbm>>
      %dma_wait3A_334 = arith.constant 0 : i32
      %dma_wait3A_335 = tpu.memref_slice %arg8[%mul3A_2, %dma_wait3A_334] : memref<16384x32xf32, #tpu.memory_space<hbm>> -> memref<512x32xf32, #tpu.memory_space<hbm>>
      tpu.wait_dma2 semaphore(%run_scoped3A : memref<!tpu.dma_semaphore, #tpu.memory_space<semaphore_mem>>) src(%arg13 : memref<512x32xf32, #tpu.memory_space<vmem>>) dst(%dma_wait3A_335 : memref<512x32xf32, #tpu.memory_space<hbm>>)
      tpu.yield
    }) : () -> ()
    "tpu.region"() ({
      %run_scoped3A = tpu.sem_alloc : memref<!tpu.dma_semaphore, #tpu.memory_space<semaphore_mem>>
      %dma_start3A_328 = arith.constant 0 : i32
      %dma_start3A_329 = tpu.memref_slice %arg9[%mul3A_2, %dma_start3A_328] : memref<16384x32xf32, #tpu.memory_space<hbm>> -> memref<512x32xf32, #tpu.memory_space<hbm>>
      %dma_start3A_330 = arith.constant 0 : i32
      %dma_start3A_331 = tpu.memref_slice %arg9[%mul3A_2, %dma_start3A_330] : memref<16384x32xf32, #tpu.memory_space<hbm>> -> memref<512x32xf32, #tpu.memory_space<hbm>>
      tpu.enqueue_dma source(%arg15 : memref<512x32xf32, #tpu.memory_space<vmem>>) target(%dma_start3A_331 : memref<512x32xf32, #tpu.memory_space<hbm>>) target_semaphore(%run_scoped3A : memref<!tpu.dma_semaphore, #tpu.memory_space<semaphore_mem>>)
      %dma_wait3A_332 = arith.constant 0 : i32
      %dma_wait3A_333 = tpu.memref_slice %arg9[%mul3A_2, %dma_wait3A_332] : memref<16384x32xf32, #tpu.memory_space<hbm>> -> memref<512x32xf32, #tpu.memory_space<hbm>>
      %dma_wait3A_334 = arith.constant 0 : i32
      %dma_wait3A_335 = tpu.memref_slice %arg9[%mul3A_2, %dma_wait3A_334] : memref<16384x32xf32, #tpu.memory_space<hbm>> -> memref<512x32xf32, #tpu.memory_space<hbm>>
      tpu.wait_dma2 semaphore(%run_scoped3A : memref<!tpu.dma_semaphore, #tpu.memory_space<semaphore_mem>>) src(%arg15 : memref<512x32xf32, #tpu.memory_space<vmem>>) dst(%dma_wait3A_335 : memref<512x32xf32, #tpu.memory_space<hbm>>)
      tpu.yield
    }) : () -> ()
    "tpu.region"() ({
      %run_scoped3A = tpu.sem_alloc : memref<!tpu.dma_semaphore, #tpu.memory_space<semaphore_mem>>
      %dma_start3A_328 = arith.constant 0 : i32
      %dma_start3A_329 = tpu.memref_slice %arg10[%mul3A_2, %dma_start3A_328] : memref<16384x32xf32, #tpu.memory_space<hbm>> -> memref<512x32xf32, #tpu.memory_space<hbm>>
      %dma_start3A_330 = arith.constant 0 : i32
      %dma_start3A_331 = tpu.memref_slice %arg10[%mul3A_2, %dma_start3A_330] : memref<16384x32xf32, #tpu.memory_space<hbm>> -> memref<512x32xf32, #tpu.memory_space<hbm>>
      tpu.enqueue_dma source(%arg16 : memref<512x32xf32, #tpu.memory_space<vmem>>) target(%dma_start3A_331 : memref<512x32xf32, #tpu.memory_space<hbm>>) target_semaphore(%run_scoped3A : memref<!tpu.dma_semaphore, #tpu.memory_space<semaphore_mem>>)
      %dma_wait3A_332 = arith.constant 0 : i32
      %dma_wait3A_333 = tpu.memref_slice %arg10[%mul3A_2, %dma_wait3A_332] : memref<16384x32xf32, #tpu.memory_space<hbm>> -> memref<512x32xf32, #tpu.memory_space<hbm>>
      %dma_wait3A_334 = arith.constant 0 : i32
      %dma_wait3A_335 = tpu.memref_slice %arg10[%mul3A_2, %dma_wait3A_334] : memref<16384x32xf32, #tpu.memory_space<hbm>> -> memref<512x32xf32, #tpu.memory_space<hbm>>
      tpu.wait_dma2 semaphore(%run_scoped3A : memref<!tpu.dma_semaphore, #tpu.memory_space<semaphore_mem>>) src(%arg16 : memref<512x32xf32, #tpu.memory_space<vmem>>) dst(%dma_wait3A_335 : memref<512x32xf32, #tpu.memory_space<hbm>>)
      tpu.yield
    }) : () -> ()
    return
  }
}

module attributes {stable_mosaic.version = 14 : i64} {
  func.func @_tc_mlp_body(%arg0: i32, %arg1: memref<2048x32xf32, #tpu.memory_space<vmem>>, %arg2: memref<2048x32xf32, #tpu.memory_space<vmem>>, %arg3: memref<2048x32xf32, #tpu.memory_space<vmem>>, %arg4: memref<64x64xf32, #tpu.memory_space<vmem>>, %arg5: memref<64x32xf32, #tpu.memory_space<vmem>>, %arg6: memref<1x64xf32, #tpu.memory_space<vmem>>, %arg7: memref<1x32xf32, #tpu.memory_space<vmem>>, %arg8: memref<64x1xf32, #tpu.memory_space<vmem>>, %arg9: memref<1x1xf32, #tpu.memory_space<vmem>>, %arg10: memref<2048x1xf32, #tpu.memory_space<vmem>>) attributes {dimension_semantics = [#tpu.dimension_semantics<arbitrary>], iteration_bounds = array<i64: 8>, scalar_prefetch = 0 : i64, scratch_operands = 0 : i64, tpu.core_type = #tpu.core_type<tc>, window_params = [{transform_indices = @transform_0, window_bounds = array<i64: 2048, 32>}, {transform_indices = @transform_1, window_bounds = array<i64: 2048, 32>}, {transform_indices = @transform_2, window_bounds = array<i64: 2048, 32>}, {pipeline_mode = #tpu.pipeline_mode<synchronous>, transform_indices = @transform_3, window_bounds = array<i64: 64, 64>}, {pipeline_mode = #tpu.pipeline_mode<synchronous>, transform_indices = @transform_4, window_bounds = array<i64: 64, 32>}, {pipeline_mode = #tpu.pipeline_mode<synchronous>, transform_indices = @transform_5, window_bounds = array<i64: 1, 64>}, {pipeline_mode = #tpu.pipeline_mode<synchronous>, transform_indices = @transform_6, window_bounds = array<i64: 1, 32>}, {pipeline_mode = #tpu.pipeline_mode<synchronous>, transform_indices = @transform_7, window_bounds = array<i64: 64, 1>}, {pipeline_mode = #tpu.pipeline_mode<synchronous>, transform_indices = @transform_8, window_bounds = array<i64: 1, 1>}, {transform_indices = @transform_9, window_bounds = array<i64: 2048, 1>}]} {
    %get3A = arith.constant 0 : index
    %get3A_0 = arith.constant 0 : index
    %get3A_1 = vector.load %arg2[%get3A, %get3A_0] : memref<2048x32xf32, #tpu.memory_space<vmem>>, vector<2048x32xf32>
    %get3A_2 = arith.constant 0 : index
    %get3A_3 = arith.constant 0 : index
    %get3A_4 = vector.load %arg4[%get3A_2, %get3A_3] : memref<64x64xf32, #tpu.memory_space<vmem>>, vector<64x64xf32>
    %slice3A = vector.extract_strided_slice %get3A_4 {offsets = [0, 0], sizes = [32, 64], strides = [1, 1]} : vector<64x64xf32> to vector<32x64xf32>
    %dot_general3A = arith.constant dense<0.000000e+00> : vector<2048x64xf32>
    %dot_general3A_5 = tpu.matmul %get3A_1, %slice3A, %dot_general3A {dimension_numbers = #tpu.dot_dimension_numbers<[1], [0], [0], [1], [0, 0, 1, 1], [], []>, transpose_lhs_hint = false} : vector<2048x32xf32>, vector<32x64xf32>, vector<2048x64xf32> -> vector<2048x64xf32>
    %get3A_6 = arith.constant 0 : index
    %get3A_7 = arith.constant 0 : index
    %get3A_8 = vector.load %arg3[%get3A_6, %get3A_7] : memref<2048x32xf32, #tpu.memory_space<vmem>>, vector<2048x32xf32>
    %get3A_9 = arith.constant 0 : index
    %get3A_10 = arith.constant 0 : index
    %get3A_11 = vector.load %arg4[%get3A_9, %get3A_10] : memref<64x64xf32, #tpu.memory_space<vmem>>, vector<64x64xf32>
    %slice3A_12 = vector.extract_strided_slice %get3A_11 {offsets = [32, 0], sizes = [32, 64], strides = [1, 1]} : vector<64x64xf32> to vector<32x64xf32>
    %dot_general3A_13 = arith.constant dense<0.000000e+00> : vector<2048x64xf32>
    %dot_general3A_14 = tpu.matmul %get3A_8, %slice3A_12, %dot_general3A_13 {dimension_numbers = #tpu.dot_dimension_numbers<[1], [0], [0], [1], [0, 0, 1, 1], [], []>, transpose_lhs_hint = false} : vector<2048x32xf32>, vector<32x64xf32>, vector<2048x64xf32> -> vector<2048x64xf32>
    %add3A = arith.addf %dot_general3A_5, %dot_general3A_14 : vector<2048x64xf32>
    %get3A_15 = arith.constant 0 : index
    %get3A_16 = arith.constant 0 : index
    %get3A_17 = vector.load %arg6[%get3A_15, %get3A_16] : memref<1x64xf32, #tpu.memory_space<vmem>>, vector<1x64xf32>
    %add3A_18 = vector.broadcast %get3A_17 : vector<1x64xf32> to vector<2048x64xf32>
    %add3A_19 = arith.addf %add3A, %add3A_18 : vector<2048x64xf32>
    %max3A = arith.constant 0.000000e+00 : f32
    %max3A_20 = vector.broadcast %max3A : f32 to vector<2048x64xf32>
    %max3A_21 = arith.maximumf %add3A_19, %max3A_20 : vector<2048x64xf32>
    %get3A_22 = arith.constant 0 : index
    %get3A_23 = arith.constant 0 : index
    %get3A_24 = vector.load %arg5[%get3A_22, %get3A_23] : memref<64x32xf32, #tpu.memory_space<vmem>>, vector<64x32xf32>
    %dot_general3A_25 = arith.constant dense<0.000000e+00> : vector<2048x32xf32>
    %dot_general3A_26 = tpu.matmul %max3A_21, %get3A_24, %dot_general3A_25 {dimension_numbers = #tpu.dot_dimension_numbers<[1], [0], [0], [1], [0, 0, 1, 1], [], []>, transpose_lhs_hint = false} : vector<2048x64xf32>, vector<64x32xf32>, vector<2048x32xf32> -> vector<2048x32xf32>
    %get3A_27 = arith.constant 0 : index
    %get3A_28 = arith.constant 0 : index
    %get3A_29 = vector.load %arg7[%get3A_27, %get3A_28] : memref<1x32xf32, #tpu.memory_space<vmem>>, vector<1x32xf32>
    %add3A_30 = vector.broadcast %get3A_29 : vector<1x32xf32> to vector<2048x32xf32>
    %add3A_31 = arith.addf %dot_general3A_26, %add3A_30 : vector<2048x32xf32>
    %max3A_32 = arith.constant 0.000000e+00 : f32
    %max3A_33 = vector.broadcast %max3A_32 : f32 to vector<2048x32xf32>
    %max3A_34 = arith.maximumf %add3A_31, %max3A_33 : vector<2048x32xf32>
    %get3A_35 = arith.constant 0 : index
    %get3A_36 = arith.constant 0 : index
    %get3A_37 = vector.load %arg1[%get3A_35, %get3A_36] : memref<2048x32xf32, #tpu.memory_space<vmem>>, vector<2048x32xf32>
    %get3A_38 = arith.constant 0 : index
    %get3A_39 = arith.constant 0 : index
    %get3A_40 = vector.load %arg8[%get3A_38, %get3A_39] : memref<64x1xf32, #tpu.memory_space<vmem>>, vector<64x1xf32>
    %slice3A_41 = vector.extract_strided_slice %get3A_40 {offsets = [0, 0], sizes = [32, 1], strides = [1, 1]} : vector<64x1xf32> to vector<32x1xf32>
    %dot_general3A_42 = arith.constant dense<0.000000e+00> : vector<2048x1xf32>
    %dot_general3A_43 = tpu.matmul %get3A_37, %slice3A_41, %dot_general3A_42 {dimension_numbers = #tpu.dot_dimension_numbers<[1], [0], [0], [1], [0, 0, 1, 1], [], []>, transpose_lhs_hint = false} : vector<2048x32xf32>, vector<32x1xf32>, vector<2048x1xf32> -> vector<2048x1xf32>
    %get3A_44 = arith.constant 0 : index
    %get3A_45 = arith.constant 0 : index
    %get3A_46 = vector.load %arg8[%get3A_44, %get3A_45] : memref<64x1xf32, #tpu.memory_space<vmem>>, vector<64x1xf32>
    %slice3A_47 = vector.extract_strided_slice %get3A_46 {offsets = [32, 0], sizes = [32, 1], strides = [1, 1]} : vector<64x1xf32> to vector<32x1xf32>
    %dot_general3A_48 = arith.constant dense<0.000000e+00> : vector<2048x1xf32>
    %dot_general3A_49 = tpu.matmul %max3A_34, %slice3A_47, %dot_general3A_48 {dimension_numbers = #tpu.dot_dimension_numbers<[1], [0], [0], [1], [0, 0, 1, 1], [], []>, transpose_lhs_hint = false} : vector<2048x32xf32>, vector<32x1xf32>, vector<2048x1xf32> -> vector<2048x1xf32>
    %add3A_50 = arith.addf %dot_general3A_43, %dot_general3A_49 : vector<2048x1xf32>
    %get3A_51 = arith.constant 0 : index
    %get3A_52 = arith.constant 0 : index
    %get3A_53 = vector.load %arg9[%get3A_51, %get3A_52] : memref<1x1xf32, #tpu.memory_space<vmem>>, vector<1x1xf32>
    %get3A_54 = vector.extract %get3A_53[0, 0] : f32 from vector<1x1xf32>
    %add3A_55 = vector.broadcast %get3A_54 : f32 to vector<2048x1xf32>
    %add3A_56 = arith.addf %add3A_50, %add3A_55 : vector<2048x1xf32>
    %swap3A = arith.constant 0 : index
    %swap3A_57 = arith.constant 0 : index
    %swap3A_58 = vector.load %arg10[%swap3A, %swap3A_57] : memref<2048x1xf32, #tpu.memory_space<vmem>>, vector<2048x1xf32>
    tpu.vector_store %arg10[%swap3A, %swap3A_57], %add3A_56 {strides = array<i32>} : memref<2048x1xf32, #tpu.memory_space<vmem>>, vector<2048x1xf32>,
    return
  }
  func.func @transform_0(%arg0: i32) -> (i32, i32) {
    %c0_i32 = arith.constant 0 : i32
    %c0_i32_0 = arith.constant 0 : i32
    return %arg0, %c0_i32 : i32, i32
  }
  func.func @transform_1(%arg0: i32) -> (i32, i32) {
    %c0_i32 = arith.constant 0 : i32
    %c0_i32_0 = arith.constant 0 : i32
    return %arg0, %c0_i32 : i32, i32
  }
  func.func @transform_2(%arg0: i32) -> (i32, i32) {
    %c0_i32 = arith.constant 0 : i32
    %c0_i32_0 = arith.constant 0 : i32
    return %arg0, %c0_i32 : i32, i32
  }
  func.func @transform_3(%arg0: i32) -> (i32, i32) {
    %c0_i32 = arith.constant 0 : i32
    %c0_i32_0 = arith.constant 0 : i32
    %c0_i32_1 = arith.constant 0 : i32
    return %c0_i32, %c0_i32_0 : i32, i32
  }
  func.func @transform_4(%arg0: i32) -> (i32, i32) {
    %c0_i32 = arith.constant 0 : i32
    %c0_i32_0 = arith.constant 0 : i32
    %c0_i32_1 = arith.constant 0 : i32
    return %c0_i32, %c0_i32_0 : i32, i32
  }
  func.func @transform_5(%arg0: i32) -> (i32, i32) {
    %c0_i32 = arith.constant 0 : i32
    %c0_i32_0 = arith.constant 0 : i32
    %c0_i32_1 = arith.constant 0 : i32
    return %c0_i32, %c0_i32_0 : i32, i32
  }
  func.func @transform_6(%arg0: i32) -> (i32, i32) {
    %c0_i32 = arith.constant 0 : i32
    %c0_i32_0 = arith.constant 0 : i32
    %c0_i32_1 = arith.constant 0 : i32
    return %c0_i32, %c0_i32_0 : i32, i32
  }
  func.func @transform_7(%arg0: i32) -> (i32, i32) {
    %c0_i32 = arith.constant 0 : i32
    %c0_i32_0 = arith.constant 0 : i32
    %c0_i32_1 = arith.constant 0 : i32
    return %c0_i32, %c0_i32_0 : i32, i32
  }
  func.func @transform_8(%arg0: i32) -> (i32, i32) {
    %c0_i32 = arith.constant 0 : i32
    %c0_i32_0 = arith.constant 0 : i32
    %c0_i32_1 = arith.constant 0 : i32
    return %c0_i32, %c0_i32_0 : i32, i32
  }
  func.func @transform_9(%arg0: i32) -> (i32, i32) {
    %c0_i32 = arith.constant 0 : i32
    %c0_i32_0 = arith.constant 0 : i32
    return %arg0, %c0_i32 : i32, i32
  }
}

</mosaic_0001>

<sc_bundles>
// kernel: kernel.4.cloned.1.call-start
scs
__scs_entry_jumppad:
0x0: {  	(pc) =	sbr.rel $0x88, $3  }
0x1: {  	(tag) =	ssettag $0x0;
	lr =	simm.s32 $0x1  }
0x2: {  	[smem:$0x3F95] =	sst lr;
	_ =	strace $0xD0000000  }
0x3: {  	_ = 	snop  }
0x4: {  	_ = 	snop  }
0x5: {  	_ = 	snop  }
0x6: {  	_ = 	snop  }
0x7: {  	_ = 	snop  }
__scs_overlays_trampoline_lowered:
0x8: {  	[smem:$0x3FA4] =	sst s0  }
0x9: {  	[smem:$0x3FA5] =	sst s1  }
0xa: {  	[smem:$0x3FA6] =	sst s2  }
0xb: {  	[smem:$0x3FA7] =	sst s3  }
0xc: {  	[smem:$0x3FA8] =	sst s4  }
0xd: {  	[smem:$0x3FA9] =	sst s5  }
0xe: {  	[smem:$0x3FAA] =	sst s6  }
0xf: {  	[smem:$0x3FAB] =	sst s7  }
0x10: {  	[smem:$0x3FAC] =	sst s8  }
0x11: {  	[smem:$0x3FAD] =	sst s9;
	s0 =	simm.s32 @!p0 $0x0  }
0x12: {  	s1 =	sld [smem:$0x3F93];
	s0 =	simm.s32 @p0 $0x1  }
0x13: {  	[smem:$0x3FAE] =	sst s0;
	s0 =	simm.s32 @!p1 $0x0  }
0x14: {  	s2 =	sld [smem:$0x3F92];
	s0 =	simm.s32 @p1 $0x1  }
0x15: {  	[smem:$0x3FAF] =	sst s0;
	s0 =	simm.s32 @!p2 $0x0  }
0x16: {  	s3 =	sld [smem:$0x3FDB];
	s0 =	simm.s32 @p2 $0x1  }
0x17: {  	s4 =	simm.s32 $0x1BF5;
	[smem:$0x3FB1] =	sst s0  }
0x18: {  	s0 =	sld [smem:$0x3F94];
	_ =	swait.ge [sflag:s4], $0x0  }
0x19: {  	s7 =	sld [smem:$0x3F95]  }
0x1a: {  	s8 =	sadd.s32 $0xFFFFE003, lr  }
0x1b: {  	s9 =	sadd.s32 $0xFFFFFEF7, lr;
	s5 =	simm.s32 $0xFFFFFFFF;
	p2 =	slt.u32 s8, $0xFFFFF086  }
0x1c: {  	p1 =	slt.u32 s9, $0xF7A;
	s5 =	simm.s32 @!p2 $0x0  }
0x1d: {  	s5 =	simm.s32 @p1 $0x1;
	p0 =	seq.s32 s7, s2  }
0x1e: {  	s7 =	smul.u32 @!p0 $0xF7A, s2;
	p2 =	seq.s32 @!p0 s5, $0x0  }
0x1f: {  	s9 =	smul.u32 $0xF7A, s1;
	s8 =	simm.s32 @!p0 $0x1BF5;
	p2 =	por !p2, p0  }
0x20: {  	[sflag:s8] =	ssyncset.s32 @!p0 $0xFFFFF086;
	s6 =	sadd.s32 @!p0 s3, s7;
	s7 =	simm.s32 @!p0 $0x108  }
0x21: {  	s3 =	sadd.s32 s3, s9;
	s6 =	sadd.s32 @!p0 $0x88, s6;
	s7 =	simm.s32 @p2 $0x1082  }
0x22: {  	[simem:s7], [sflag:s8] =	dma.local @!p0 [hbm:s6], $0xF7A  }
0x23: {  	s9 =	sor.u32 $0xD0000000, s2;
	s6 =	simm.s32 $0x108;
	_ =	swait.ge @!p0 [sflag:s8], $0x0  }
0x24: {  	s3 =	sadd.s32 $0x88, s3;
	s6 =	simm.s32 @!p1 $0x1082;
	[sflag:s4] =	ssyncset.s32 $0xFFFFF086  }
0x25: {  	[simem:s6], [sflag:s4] =	dma.local [hbm:s3], $0xF7A  }
0x26: {  	[smem:$0x3F95] =	sst s1;
	(tag) =	ssettag s2;
	_ =	strace s9  }
0x27: {  	s1 =	sld [smem:$0x3FA5]  }
0x28: {  	s2 =	sld [smem:$0x3FA6]  }
0x29: {  	s4 =	sld [smem:$0x3FA8]  }
0x2a: {  	p0 =	seq.s32 s5, $0x0;
	s5 =	sld [smem:$0x3FA9]  }
0x2b: {  	s6 =	sld [smem:$0x3FAA]  }
0x2c: {  	s7 =	sld [smem:$0x3FAB]  }
0x2d: {  	s3 =	simm.s32 $0x108;
	s8 =	sld [smem:$0x3FAC]  }
0x2e: {  	s3 =	simm.s32 @!p0 $0x1082;
	s9 =	sld [smem:$0x3FAD]  }
0x2f: {  	lr =	sadd.s32 s0, s3;
	s0 =	sld [smem:$0x3FA4]  }
0x30: {  	s3 =	sld [smem:$0x3FA7]  }
0x31: {  	[smem:$0x3FB0] =	sst s10  }
0x32: {  	s10 =	sld [smem:$0x3FAE];
	_ =	sdelay $0x3  }
0x33: {  	p0 =	seq.s32 s10, $0x1;
	s10 =	sld [smem:$0x3FB0];
	_ =	sdelay $0x3  }
0x34: {  	[smem:$0x3FB0] =	sst s10  }
0x35: {  	s10 =	sld [smem:$0x3FAF];
	_ =	sdelay $0x3  }
0x36: {  	p1 =	seq.s32 s10, $0x1;
	s10 =	sld [smem:$0x3FB0];
	_ =	sdelay $0x3  }
0x37: {  	[smem:$0x3FB0] =	sst s10  }
0x38: {  	s10 =	sld [smem:$0x3FB1]  }
0x39: {  	_ = 	snop;
	(pc) =	sbr.ind lr, $3  }
0x3a: {  	_ = 	snop  }
0x3b: {  	_ = 	snop  }
0x3c: {  	p2 =	seq.s32 s10, $0x1;
	s10 =	sld [smem:$0x3FB0]  }
0x3d: {  	_ =	shalt  }
0x3e: {  	_ =	shalt  }
0x3f: {  	_ =	shalt  }
0x40: {  	_ =	shalt  }
0x41: {  	_ =	shalt  }
0x42: {  	_ =	shalt  }
0x43: {  	_ =	shalt  }
0x44: {  	_ =	shalt  }
0x45: {  	_ =	shalt  }
0x46: {  	_ =	shalt  }
0x47: {  	_ =	shalt  }
0x48: {  	_ =	shalt  }
0x49: {  	_ =	shalt  }
0x4a: {  	_ =	shalt  }
0x4b: {  	_ =	shalt  }
0x4c: {  	_ =	shalt  }
0x4d: {  	_ =	shalt  }
0x4e: {  	_ =	shalt  }
0x4f: {  	_ =	shalt  }
0x50: {  	_ =	shalt  }
0x51: {  	_ =	shalt  }
0x52: {  	_ =	shalt  }
0x53: {  	_ =	shalt  }
0x54: {  	_ =	shalt  }
0x55: {  	_ =	shalt  }
0x56: {  	_ =	shalt  }
0x57: {  	_ =	shalt  }
0x58: {  	_ =	shalt  }
0x59: {  	_ =	shalt  }
0x5a: {  	_ =	shalt  }
0x5b: {  	_ =	shalt  }
0x5c: {  	_ =	shalt  }
0x5d: {  	_ =	shalt  }
0x5e: {  	_ =	shalt  }
0x5f: {  	_ =	shalt  }
0x60: {  	_ =	shalt  }
0x61: {  	_ =	shalt  }
0x62: {  	_ =	shalt  }
0x63: {  	_ =	shalt  }
0x64: {  	_ =	shalt  }
0x65: {  	_ =	shalt  }
0x66: {  	_ =	shalt  }
0x67: {  	_ =	shalt  }
0x68: {  	_ =	shalt  }
0x69: {  	_ =	shalt  }
0x6a: {  	_ =	shalt  }
0x6b: {  	_ =	shalt  }
0x6c: {  	_ =	shalt  }
0x6d: {  	_ =	shalt  }
0x6e: {  	_ =	shalt  }
0x6f: {  	_ =	shalt  }
0x70: {  	_ =	shalt  }
0x71: {  	_ =	shalt  }
0x72: {  	_ =	shalt  }
0x73: {  	_ =	shalt  }
0x74: {  	_ =	shalt  }
0x75: {  	_ =	shalt  }
0x76: {  	_ =	shalt  }
0x77: {  	_ =	shalt  }
0x78: {  	_ =	shalt  }
0x79: {  	_ =	shalt  }
0x7a: {  	_ =	shalt  }
0x7b: {  	_ =	shalt  }
0x7c: {  	_ =	shalt  }
0x7d: {  	_ =	shalt  }
0x7e: {  	_ =	shalt  }
0x7f: {  	_ =	shalt  }
0x80: {  	_ =	shalt  }
0x81: {  	_ =	shalt  }
0x82: {  	_ =	shalt  }
0x83: {  	_ =	shalt  }
0x84: {  	_ =	shalt  }
0x85: {  	_ =	shalt  }
0x86: {  	_ =	shalt  }
0x87: {  	_ =	shalt  }
.Lfunc_end0:
.L_simem_size_0:
called_computation_lowered:
.L_overlay_start_0:
0x88: {  	s2 =	sld [smem:$0x3FD9]  }
0x89: {  	s3 =	sld [smem:$0x3FFE];
	_ =	sdelay $0x1  }
0x8a: {  	s1 =	srdreg.scid  }
0x8b: {  	s0 =	sand.u32 $0x1, s1  }
0x8c: {  	s17 =	sshll.u32 s0, $0xA;
	s2 =	sadd.s32 s3, s2  }
0x8d: {  	s2 =	sadd.s32 s2, s17  }
0x8e: {  	[smem:$0x3FBC] =	sst s2  }
0x8f: {  	_ = 	snop  }
0x90: {  	s2 =	sld [smem:$0x3FC9]  }
0x91: {  	s18 =	sld [smem:$0x3FC8];
	(tm) =	ssettm $0x1  }
0x92: {  	s4 =	sld [smem:$0x3FFB];
	_ =	sdelay $0x3  }
0x93: {  	_ =	strace s4  }
0x94: {  	s4 =	sld [smem:$0x3FFC];
	_ =	sdelay $0x3  }
0x95: {  	_ =	strace s4  }
0x96: {  	s4 =	sld [smem:$0x3FFD];
	_ =	sdelay $0x3  }
0x97: {  	_ =	strace s4  }
0x98: {  	_ =	strace $0x8FFFFFFF  }
0x99: {  	s19 =	sld [smem:$0x3FDB];
	_ =	sdelay $0x1  }
0x9a: {  	s5 =	simm.s32 $_scs_section_size  }
0x9b: {  	s6 =	simm.s32 $_size__tile_overlayer_lowered;
	s7 =	simm.s32 $_tile_overlayer_lowered  }
0x9c: {  	s22 =	simm.s32 $0x1BFF;
	s21 =	sshll.u32 s7, $0x1;
	s4 =	sadd.s32 s5, s19  }
0x9d: {  	s8 =	simm.s32 $0x0;
	s20 =	sshll.u32 s6, $0x1;
	s6 =	sadd.s32 s21, s4  }
0x9e: {  	[timem:s8], [sflag:s22] =	dma.local [hbm:s6], s20  }
0x9f: {  	_ =	swait.ge [sflag:s22], s20  }
0xa0: {  	s5 =	ssub.s32 $0x0, s20;
	[sflag:s22] =	ssyncset.done $0x0  }
0xa1: {  	[sflag:s22] =	ssyncadd.s32 s5;
	_ =	sdelay $0x1  }
0xa2: {  	s23 =	simm.s32 $0x1B8B  }
0xa3: {  	_ =	swait.ge [sflag:s23], $0x1  }
0xa4: {  	[sflag:s23] =	ssyncset.done $0x0  }
0xa5: {  	s25 =	simm.s32 $0x1B8E;
	s24 =	sld [smem:$0x3FFE];
	[sflag:s23] =	ssyncadd.s32 $0xFFFFFFFF  }
0xa6: {  	s26 =	simm.s32 $execute0_lowered;
	[smem:$0x3FD2] =	sst s25  }
0xa7: {  	s6 =	sshll.u32 s26, $0x1;
	_ =	strace $0x80000046;
	[dreg:$0x1] =	wrdreg $0xFFFFFFFF  }
0xa8: {  	s28 =	simm.s32 $_size_execute0_lowered;
	s4 =	sadd.s32 s4, s6;
	[dreg:$0x0] =	wrdreg $0x0  }
0xa9: {  	s6 =	sshll.u32 s28, $0x1;
	[dreg:$0x2] =	wrdreg s4  }
0xaa: {  	[dreg:$0x3] =	wrdreg s6  }
0xab: {  	[dreg:$0x4] =	wrdreg $0xC0  }
0xac: {  	_ =	task [dreg:s8], $0x5FFFF  }
0xad: {  	[dreg:$0x1] =	wrdreg $0xFFFFFFFF  }
0xae: {  	[dreg:$0x0] =	wrdreg $0x60  }
0xaf: {  	[dreg:$0x2] =	wrdreg s2  }
0xb0: {  	[dreg:$0x3] =	wrdreg s18  }
0xb1: {  	[dreg:$0x4] =	wrdreg s24  }
0xb2: {  	[dreg:$0x5] =	wrdreg $0x9  }
0xb3: {  	_ =	task.clear_ibuf [dreg:s8], $0x6FFFF;
	_ =	strace $0x90000046  }
0xb4: {  	s29 =	simm.s32 $0x9;
	_ =	strace $0x80000048  }
0xb5: {  	_ =	swait.ge [sflag:s29], $0x1  }
0xb6: {  	[sflag:s29] =	ssyncadd.s32 $0xFFFFFFFF  }
0xb7: {  	_ =	strace $0x90000048  }
0xb8: {  	_ =	sfence  }
0xb9: {  	s30 =	sld [smem:$0x0];
	_ =	sdelay $0x2  }
0xba: {  	s31 =	sshll.u32 s1, $0xD;
	s1 =	sshrl.u32 s1, $0x2  }
0xbb: {  	s3 =	sand.u32 $0x4000, s31;
	s1 =	sadd.s32 s1, s30  }
0xbc: {  	s0 =	sor.u32 s3, s0;
	s1 =	sshll.u32 s1, $0x11  }
0xbd: {  	s0 =	sor.u32 s1, s0  }
0xbe: {  	s0 =	sadd.s32 $0x8F2B, s0  }
0xbf: {  	[sflag:s0] =	ssyncadd.remote.s32 $0x1  }
0xc0: {  	_ =	sfence.sel $0xFFFF  }
0xc1: {  	[dreg:$0x0] =	wrdreg $0xFFFFFFFF;
	(pc) =	sbr.abs _section_cstart, $3  }
0xc2: {  	[dreg:$0x1] =	wrdreg $0xFFFFFFFF  }
0xc3: {  	_ =	task.clear_ibuf [dreg:s8], $0x2FFFF;
	_ =	strace $0x9FFFFFFF  }
0xc4: {  	(tm) =	ssettm $0x7FFFFFFF  }
0xc5: {  	_ =	shalt  }
tec
execute0_lowered:
.L_overlay_start_1:
0x0: {  	(tag) =	ssettag $0x1  }
0x1: {  	s0 =	rddreg [dreg:$0x0]  }
0x2: {  	s1 =	rddreg [dreg:$0x1]  }
0x3: {  	s7 =	rddreg [dreg:$0x2];
	s2 =	simm.s32 $0x0  }
0x4: {  	s4 =	srdreg.scid;
	s5 =	stileid.u32;
	s13 =	simm.s32 $0x2  }
0x5: {  	s14 =	simm.s32 $0x200;
	s15 =	simm.s32 $0x80;
	s16 =	simm.s32 $0x400  }
0x6: {  	s18 =	simm.s32 $0x8400;
	s19 =	simm.s32 $0xC400;
	s21 =	simm.s32 $0x280  }
0x7: {  	s25 =	simm.s32 $0x100;
	s28 =	simm.s32 $0x300;
	s17 =	simm.s32 $0x380  }
0x8: {  	s20 =	simm.s32 $0x7400;
	s22 =	simm.s32 $0xB400;
	s23 =	simm.s32 $0xF400  }
0x9: {  	s24 =	simm.s32 $0x1;
	s26 =	simm.s32 $0x0;
	[smem:$0x7FF] =	sst s2  }
0xa: {  	s3 =	sadd.s32 $0x1AB5000, s7;
	s8 =	sand.u32 $0x1, s4;
	s4 =	sadd.s32 $0x16E4600, s7  }
0xb: {  	s6 =	sshll.u32 s5, $0x1;
	s5 =	sadd.s32 $0x1313C00, s7;
	_ =	strace $0x80000047  }
0xc: {  	s9 =	sor.u32 s8, s6;
	s6 =	sadd.s32 $0xF43200, s7;
	s8 =	ssub.s32 $0x2, s8  }
0xd: {  	s10 =	sshll.u32 s9, $0xB;
	s31 =	sshrl.u32 s8, $0x1;
	s9 =	sshll.u32 s9, $0x6  }
0xe: {  	s11 =	sadd.s32 s10, s7;
	s12 =	ssub.s32 s8, s31;
	s7 =	sadd.s32 s0, s9  }
0xf: {  	s8 =	sadd.s32 s1, s9;
	s0 =	simm.s32 $0x180;
	s9 =	sadd.s32 $0x20E00, s11  }
0x10: {  	s10 =	sadd.s32 $0x10E00, s11;
	s11 =	sadd.s32 $0xE00, s11;
	s12 =	smax.u32 s12, $0x1  }
.LBB2_1:
0x11: {  	[tilespmem:s2], [sflag:$0x2] =	stream.linear.gather [hbm4b:s7+s2], $0x200, $0x38;
	[tilespmem:$0x10400] =	vst v63  }
0x12: {  	_ =	swait.ge [sflag:s13], $0x200  }
0x13: {  	[sflag:s13] =	ssyncset.done $0x0  }
0x14: {  	[sflag:s13] =	ssyncadd.s32 $0xFFFFFE00  }
0x15: {  	[tilespmem:s14], [sflag:$0x2] =	stream.linear.gather [hbm4b:s8+s2], $0x200, $0x38;
	[tilespmem:$0x10400] =	vst v63  }
0x16: {  	_ =	swait.ge [sflag:s13], $0x200  }
0x17: {  	[sflag:s13] =	ssyncset.done $0x0  }
0x18: {  	[sflag:s13] =	ssyncadd.s32 $0xFFFFFE00  }
0x19: {  	[tilespmem:s16], [sflag:$0x1] =	stream.indirect.gather [hbm4b:s3+s15], $0x20, s2, s15, $0xb8;
	[tilespmem:$0x10400] =	vst v63  }
0x1a: {  	s1 =	simm.s32 $0x4400  }
0x1b: {  	[tilespmem:s1], [sflag:$0x1] =	stream.indirect.gather [hbm4b:s4+s15], $0x20, s14, s15, $0xb8;
	[tilespmem:$0x10400] =	vst v63  }
0x1c: {  	_ = 	snop  }
0x1d: {  	[tilespmem:s18], [sflag:$0x1] =	stream.indirect.gather [hbm4b:s5+s15], $0x20, s2, s15, $0xb8;
	[tilespmem:$0x10400] =	vst v63  }
0x1e: {  	_ = 	snop  }
0x1f: {  	[tilespmem:s19], [sflag:$0x1] =	stream.indirect.gather [hbm4b:s6+s15], $0x20, s14, s15, $0xb8;
	[tilespmem:$0x10400] =	vst v63  }
0x20: {  	s1 =	simm.s32 $0x1400  }
0x21: {  	[tilespmem:s1], [sflag:$0x1] =	stream.indirect.gather [hbm4b:s3+s15], $0x20, s15, s15, $0xb8;
	[tilespmem:$0x10400] =	vst v63  }
0x22: {  	s1 =	simm.s32 $0x5400  }
0x23: {  	[tilespmem:s1], [sflag:$0x1] =	stream.indirect.gather [hbm4b:s4+s15], $0x20, s21, s15, $0xb8;
	[tilespmem:$0x10400] =	vst v63  }
0x24: {  	s1 =	simm.s32 $0x9400  }
0x25: {  	[tilespmem:s1], [sflag:$0x1] =	stream.indirect.gather [hbm4b:s5+s15], $0x20, s15, s15, $0xb8;
	[tilespmem:$0x10400] =	vst v63  }
0x26: {  	s1 =	simm.s32 $0xD400  }
0x27: {  	[tilespmem:s1], [sflag:$0x1] =	stream.indirect.gather [hbm4b:s6+s15], $0x20, s21, s15, $0xb8;
	[tilespmem:$0x10400] =	vst v63  }
0x28: {  	s1 =	simm.s32 $0x2400  }
0x29: {  	[tilespmem:s1], [sflag:$0x1] =	stream.indirect.gather [hbm4b:s3+s15], $0x20, s25, s15, $0xb8;
	[tilespmem:$0x10400] =	vst v63  }
0x2a: {  	s1 =	simm.s32 $0x6400  }
0x2b: {  	[tilespmem:s1], [sflag:$0x1] =	stream.indirect.gather [hbm4b:s4+s15], $0x20, s28, s15, $0xb8;
	[tilespmem:$0x10400] =	vst v63  }
0x2c: {  	s1 =	simm.s32 $0xA400  }
0x2d: {  	[tilespmem:s1], [sflag:$0x1] =	stream.indirect.gather [hbm4b:s5+s15], $0x20, s25, s15, $0xb8;
	[tilespmem:$0x10400] =	vst v63  }
0x2e: {  	s1 =	simm.s32 $0xE400  }
0x2f: {  	[tilespmem:s1], [sflag:$0x1] =	stream.indirect.gather [hbm4b:s6+s15], $0x20, s28, s15, $0xb8;
	[tilespmem:$0x10400] =	vst v63  }
0x30: {  	s1 =	simm.s32 $0x3400  }
0x31: {  	[tilespmem:s1], [sflag:$0x1] =	stream.indirect.gather [hbm4b:s3+s15], $0x20, s0, s15, $0xb8;
	[tilespmem:$0x10400] =	vst v63  }
0x32: {  	_ = 	snop  }
0x33: {  	[tilespmem:s20], [sflag:$0x1] =	stream.indirect.gather [hbm4b:s4+s15], $0x20, s17, s15, $0xb8;
	[tilespmem:$0x10400] =	vst v63  }
0x34: {  	_ = 	snop  }
0x35: {  	[tilespmem:s22], [sflag:$0x1] =	stream.indirect.gather [hbm4b:s5+s15], $0x20, s0, s15, $0xb8;
	[tilespmem:$0x10400] =	vst v63  }
0x36: {  	_ = 	snop  }
0x37: {  	[tilespmem:s23], [sflag:$0x1] =	stream.indirect.gather [hbm4b:s6+s15], $0x20, s17, s15, $0xb8;
	[tilespmem:$0x10400] =	vst v63  }
0x38: {  	_ =	swait.ge [sflag:s24], $0x1000  }
0x39: {  	[sflag:s24] =	ssyncset.done $0x0  }
0x3a: {  	[sflag:s24] =	ssyncadd.s32 $0xFFFFF000  }
0x3b: {  	_ =	swait.ge [sflag:s24], $0x1000  }
0x3c: {  	[sflag:s24] =	ssyncset.done $0x0  }
0x3d: {  	[sflag:s24] =	ssyncadd.s32 $0xFFFFF000  }
0x3e: {  	_ =	swait.ge [sflag:s24], $0x1000  }
0x3f: {  	[sflag:s24] =	ssyncset.done $0x0  }
0x40: {  	[sflag:s24] =	ssyncadd.s32 $0xFFFFF000  }
0x41: {  	_ =	swait.ge [sflag:s24], $0x1000  }
0x42: {  	[sflag:s24] =	ssyncset.done $0x0  }
0x43: {  	[sflag:s24] =	ssyncadd.s32 $0xFFFFF000  }
0x44: {  	_ =	swait.ge [sflag:s24], $0x1000  }
0x45: {  	[sflag:s24] =	ssyncset.done $0x0  }
0x46: {  	[sflag:s24] =	ssyncadd.s32 $0xFFFFF000  }
0x47: {  	_ =	swait.ge [sflag:s24], $0x1000  }
0x48: {  	[sflag:s24] =	ssyncset.done $0x0  }
0x49: {  	[sflag:s24] =	ssyncadd.s32 $0xFFFFF000  }
0x4a: {  	_ =	swait.ge [sflag:s24], $0x1000  }
0x4b: {  	[sflag:s24] =	ssyncset.done $0x0  }
0x4c: {  	[sflag:s24] =	ssyncadd.s32 $0xFFFFF000  }
0x4d: {  	_ =	swait.ge [sflag:s24], $0x1000  }
0x4e: {  	[sflag:s24] =	ssyncset.done $0x0  }
0x4f: {  	[sflag:s24] =	ssyncadd.s32 $0xFFFFF000  }
0x50: {  	_ =	swait.ge [sflag:s24], $0x1000  }
0x51: {  	[sflag:s24] =	ssyncset.done $0x0  }
0x52: {  	[sflag:s24] =	ssyncadd.s32 $0xFFFFF000  }
0x53: {  	_ =	swait.ge [sflag:s24], $0x1000  }
0x54: {  	[sflag:s24] =	ssyncset.done $0x0  }
0x55: {  	[sflag:s24] =	ssyncadd.s32 $0xFFFFF000  }
0x56: {  	_ =	swait.ge [sflag:s24], $0x1000  }
0x57: {  	[sflag:s24] =	ssyncset.done $0x0  }
0x58: {  	[sflag:s24] =	ssyncadd.s32 $0xFFFFF000  }
0x59: {  	_ =	swait.ge [sflag:s24], $0x1000  }
0x5a: {  	[sflag:s24] =	ssyncset.done $0x0  }
0x5b: {  	[sflag:s24] =	ssyncadd.s32 $0xFFFFF000  }
0x5c: {  	_ =	swait.ge [sflag:s24], $0x1000  }
0x5d: {  	[sflag:s24] =	ssyncset.done $0x0  }
0x5e: {  	[sflag:s24] =	ssyncadd.s32 $0xFFFFF000  }
0x5f: {  	_ =	swait.ge [sflag:s24], $0x1000  }
0x60: {  	[sflag:s24] =	ssyncset.done $0x0  }
0x61: {  	[sflag:s24] =	ssyncadd.s32 $0xFFFFF000  }
0x62: {  	_ =	swait.ge [sflag:s24], $0x1000  }
0x63: {  	[sflag:s24] =	ssyncset.done $0x0  }
0x64: {  	[sflag:s24] =	ssyncadd.s32 $0xFFFFF000  }
0x65: {  	_ =	swait.ge [sflag:s24], $0x1000  }
0x66: {  	[sflag:s24] =	ssyncset.done $0x0  }
0x67: {  	s29 =	simm.s32 $0x440;
	[sflag:s24] =	ssyncadd.s32 $0xFFFFF000  }
0x68: {  	s30 =	simm.s32 $0x4440;
	v0 =	vld [tilespmem:s29+$0xFFFFFFC0]  }
0x69: {  	v1 =	vld [tilespmem:s30+$0xFFFFFFC0];
	_ =	sdelay $0x4  }
0x6a: {  	v0 =	vmul.f32 v1, v0;
	_ =	sdelay $0x1  }
0x6b: {  	[tilespmem:s29+$0xFFFFFFC0] =	vst v0;
	v0 =	vld [tilespmem:s29+$0xFFFFFFD0]  }
0x6c: {  	v1 =	vld [tilespmem:s30+$0xFFFFFFD0];
	_ =	sdelay $0x4  }
0x6d: {  	v0 =	vmul.f32 v1, v0;
	_ =	sdelay $0x1  }
0x6e: {  	[tilespmem:s29+$0xFFFFFFD0] =	vst v0;
	v0 =	vld [tilespmem:s29+$0xFFFFFFE0]  }
0x6f: {  	v1 =	vld [tilespmem:s30+$0xFFFFFFE0];
	_ =	sdelay $0x4  }
0x70: {  	v0 =	vmul.f32 v1, v0;
	_ =	sdelay $0x1  }
0x71: {  	[tilespmem:s29+$0xFFFFFFE0] =	vst v0;
	v0 =	vld [tilespmem:s29+$0xFFFFFFF0]  }
0x72: {  	v1 =	vld [tilespmem:s30+$0xFFFFFFF0];
	_ =	sdelay $0x4  }
0x73: {  	v0 =	vmul.f32 v1, v0;
	_ =	sdelay $0x1  }
0x74: {  	[tilespmem:s29+$0xFFFFFFF0] =	vst v0;
	v0 =	vld [tilespmem:s29+$0x0]  }
0x75: {  	v1 =	vld [tilespmem:s30+$0x0];
	_ =	sdelay $0x4  }
0x76: {  	v0 =	vmul.f32 v1, v0;
	_ =	sdelay $0x1  }
0x77: {  	[tilespmem:s29+$0x0] =	vst v0;
	v0 =	vld [tilespmem:s29+$0x10]  }
0x78: {  	v1 =	vld [tilespmem:s30+$0x10];
	_ =	sdelay $0x4  }
0x79: {  	v0 =	vmul.f32 v1, v0;
	_ =	sdelay $0x1  }
0x7a: {  	[tilespmem:s29+$0x10] =	vst v0;
	v0 =	vld [tilespmem:s29+$0x20]  }
0x7b: {  	v1 =	vld [tilespmem:s30+$0x20];
	_ =	sdelay $0x4  }
0x7c: {  	v0 =	vmul.f32 v1, v0;
	_ =	sdelay $0x1  }
0x7d: {  	[tilespmem:s29+$0x20] =	vst v0;
	v0 =	vld [tilespmem:s29+$0x30]  }
0x7e: {  	v1 =	vld [tilespmem:s30+$0x30];
	_ =	sdelay $0x4  }
0x7f: {  	v0 =	vmul.f32 v1, v0  }
0x80: {  	s31 =	simm.s32 $0x0;
	s1 =	simm.s32 $0x4C0  }
.LBB2_2:
0x81: {  	v1 =	vld [tilespmem:s1+$0xFFFFFFC0];
	[tilespmem:s29+$0x30] =	vst v0;
	s30 =	sadd.s32 $0x80, s30;
	s29 =	smov.u32 s1  }
0x82: {  	s31 =	sadd.s32 $0x4, s31;
	v0 =	vld [tilespmem:s30+$0xFFFFFFC0]  }
0x83: {  	p0 =	slt.u32 s31, $0x1FC;
	_ =	sdelay $0x3  }
0x84: {  	v0 =	vmul.f32 v0, v1;
	_ =	sdelay $0x1  }
0x85: {  	[tilespmem:s1+$0xFFFFFFC0] =	vst v0;
	v0 =	vld [tilespmem:s1+$0xFFFFFFD0]  }
0x86: {  	v1 =	vld [tilespmem:s30+$0xFFFFFFD0];
	_ =	sdelay $0x4  }
0x87: {  	v0 =	vmul.f32 v1, v0;
	_ =	sdelay $0x1  }
0x88: {  	[tilespmem:s1+$0xFFFFFFD0] =	vst v0;
	v0 =	vld [tilespmem:s1+$0xFFFFFFE0]  }
0x89: {  	v1 =	vld [tilespmem:s30+$0xFFFFFFE0];
	_ =	sdelay $0x4  }
0x8a: {  	v0 =	vmul.f32 v1, v0;
	_ =	sdelay $0x1  }
0x8b: {  	[tilespmem:s1+$0xFFFFFFE0] =	vst v0;
	v0 =	vld [tilespmem:s1+$0xFFFFFFF0]  }
0x8c: {  	v1 =	vld [tilespmem:s30+$0xFFFFFFF0];
	_ =	sdelay $0x4  }
0x8d: {  	v0 =	vmul.f32 v1, v0;
	_ =	sdelay $0x1  }
0x8e: {  	[tilespmem:s1+$0xFFFFFFF0] =	vst v0;
	v0 =	vld [tilespmem:s1+$0x0]  }
0x8f: {  	v1 =	vld [tilespmem:s30+$0x0];
	_ =	sdelay $0x4  }
0x90: {  	v0 =	vmul.f32 v1, v0;
	_ =	sdelay $0x1  }
0x91: {  	[tilespmem:s1+$0x0] =	vst v0;
	v0 =	vld [tilespmem:s1+$0x10]  }
0x92: {  	v1 =	vld [tilespmem:s30+$0x10];
	_ =	sdelay $0x4  }
0x93: {  	v0 =	vmul.f32 v1, v0;
	_ =	sdelay $0x1  }
0x94: {  	[tilespmem:s1+$0x10] =	vst v0;
	v0 =	vld [tilespmem:s1+$0x20]  }
0x95: {  	v1 =	vld [tilespmem:s30+$0x20];
	_ =	sdelay $0x4  }
0x96: {  	v0 =	vmul.f32 v1, v0;
	_ =	sdelay $0x1  }
0x97: {  	[tilespmem:s1+$0x20] =	vst v0;
	v0 =	vld [tilespmem:s1+$0x30]  }
0x98: {  	v1 =	vld [tilespmem:s30+$0x30];
	_ =	sdelay $0x1  }
.Ltmp0:
0x99: {  	(pc) =	sbr.rel @p0 .LBB2_2-.Ltmp0, $3  }
0x9a: {  	_ =	sdelay $0x1  }
0x9b: {  	v0 =	vmul.f32 v1, v0  }
0x9c: {  	s1 =	sadd.s32 $0x80, s1  }
0x9d: {  	[tilespmem:s29+$0x30] =	vst v0  }
0x9e: {  	[hbm4b:s9+s2] =	stream.linear.scatter [tilespmem:s16], [sflag:$0x2], $0x4000, $0x38;
	[tilespmem:$0x10400] =	vst v63  }
0x9f: {  	_ =	swait.ge [sflag:s13], $0x4000  }
0xa0: {  	[sflag:s13] =	ssyncset.done $0x0  }
0xa1: {  	[sflag:s13] =	ssyncadd.s32 $0xFFFFC000  }
0xa2: {  	[hbm4b:s10+s2] =	stream.linear.scatter [tilespmem:s18], [sflag:$0x2], $0x4000, $0x38;
	[tilespmem:$0x10400] =	vst v63  }
0xa3: {  	s26 =	sadd.s32 $0x1, s26;
	_ =	swait.ge [sflag:s13], $0x4000  }
0xa4: {  	p0 =	sne.s32 s26, s12;
	[sflag:s13] =	ssyncset.done $0x0  }
.Ltmp1:
0xa5: {  	[sflag:s13] =	ssyncadd.s32 $0xFFFFC000;
	(pc) =	sbr.rel @p0 .LBB2_1-.Ltmp1, $4  }
0xa6: {  	[hbm4b:s11+s2] =	stream.linear.scatter [tilespmem:s19], [sflag:$0x2], $0x4000, $0x38;
	[tilespmem:$0x10400] =	vst v63  }
0xa7: {  	_ =	swait.ge [sflag:s13], $0x4000  }
0xa8: {  	[sflag:s13] =	ssyncset.done $0x0  }
0xa9: {  	[sflag:s13] =	ssyncadd.s32 $0xFFFFC000  }
0xaa: {  	_ =	sfence.sel $0x180000  }
0xab: {  	[bflag:$0x0] =	sbarrier.arrive $0xFFFF  }
0xac: {  	_ =	strace $0x90000047  }
0xad: {  	s0 =	stileid.u32;
	[bflag:$0x2] =	sbarrier.arrive $0xFFFF  }
0xae: {  	p0 =	sne.s32 s0, $0x0;
	s0 =	rddreg [dreg:$0x3]  }
0xaf: {  	s0 =	sadd.s32 @!p0 $0x100000, s0  }
0xb0: {  	[sflag:s0] =	ssyncadd.tile.s32 @!p0 $0x1;
	_ =	shalt  }
.Lfunc_end2:
_tile_overlayer_lowered:
.L_overlay_start_2:
0xb1: {  	(tag) =	ssettag $0x2  }
0xb2: {  	s0 =	rddreg [dreg:$0x0];
	s2 =	stileid.u32  }
0xb3: {  	s1 =	rddreg [dreg:$0x1];
	p0 =	sne.s32 s2, $0x0  }
0xb4: {  	s3 =	rddreg [dreg:$0x2];
	[bflag:$0x3] =	sbarrier.arrive $0xFFFF;
	s2 =	simm.s32 @!p0 $0x1C02  }
0xb5: {  	[timem:s3], [sflag:s2] =	dma.local @!p0 [hbm:s0], s1  }
0xb6: {  	s0 =	simm.s32 @!p0 $0x2  }
0xb7: {  	_ =	swait.ge @!p0 [sflag:s0], s1  }
0xb8: {  	s1 =	ssub.s32 @!p0 $0x0, s1;
	[sflag:s0] =	ssyncset.done @!p0 $0x0  }
0xb9: {  	[sflag:s0] =	ssyncadd.s32 @!p0 s1  }
0xba: {  	[bflag:$0x3] =	sbarrier.arrive $0xFFFF  }
0xbb: {  	_ =	shalt  }

</sc_bundles>
